<compile_context>
chip_gen: v7x
topology: tpu7x:2x2x1
jax: 0.10.2.dev20260603
libtpu: 0.0.44.dev20260713+nightly
codegen_flags: <defaults>
</compile_context>

<pallas_src>
import functools

import jax
import jax.numpy as jnp
from jax import lax
from jax.experimental import pallas as pl
from jax.experimental.pallas import tpu as pltpu
from jax.experimental.pallas import tpu_sc as plsc

N = 10000
D = 128
HID = 128
NCLS = 10
PERM = 16
NPAD = 10240
E = 320000
NC = 2
NS = 16
L = 16
B = 128
NSLOT = 2
EPW = 10240
EPAD = NC * NS * EPW
NB = EPW // B
EPW0 = 19456
EPW1 = EPW * NC - EPW0
RPT = NPAD // NS
BR = 256


def _worker_slices(cid, sid):
    return sid * RPT, (cid * NS + sid) * EPW


def _gather_split(cid, sid):
    ebase = jnp.where(cid == 0, sid * EPW0, NS * EPW0 + sid * EPW1)
    nb = jnp.where(cid == 0, EPW0 // B, EPW1 // B)
    return ebase, nb


def _pipelined_edges(ebase, nb, tab_hbm, gidx_hbm, sidx_hbm, acc_s,
                     gi, si, rows, gsem, isg, iss):
    def _i_start(b, g):
        b0 = ebase + g * B
        pltpu.async_copy(gidx_hbm.at[pl.ds(b0, B)], gi[b], isg[b])
        pltpu.async_copy(sidx_hbm.at[pl.ds(b0, B)], si[b], iss[b])

    def _i_wait(b):
        pltpu.make_async_copy(gidx_hbm.at[pl.ds(0, B)], gi[b], isg[b]).wait()
        pltpu.make_async_copy(sidx_hbm.at[pl.ds(0, B)], si[b], iss[b]).wait()

    def _g_start(b):
        pltpu.async_copy(tab_hbm.at[gi[b]], rows[b], gsem[b])

    def _g_wait(b):
        pltpu.make_async_copy(tab_hbm.at[gi[b]], rows[b], gsem[b]).wait()

    for r in range(NSLOT - 1):
        _i_start(r, r)
        _i_wait(r)
        _g_start(r)
    _i_start(NSLOT - 1, NSLOT - 1)

    def _body(b, g):
        bn = (b + NSLOT - 1) % NSLOT
        _g_wait(b)
        _i_wait(bn)
        _g_start(bn)
        pltpu.sync_copy(rows[b], acc_s.at[si[b]], add=True)
        _i_start(b, g + NSLOT)

    def _outer(go, carry):
        for u in range(NSLOT):
            _body(u, NSLOT * go + u)
        return carry
    lax.fori_loop(0, nb // NSLOT, _outer, 0)
    for r in range(NSLOT - 1):
        _g_wait(r)
    _i_wait(NSLOT - 1)


def _edge_agg(h_hbm, src_hbm, dst_hbm, z2_hbm, agg_out, agg_s, *bufs):
    cid = lax.axis_index("c")
    sid = lax.axis_index("s")
    r0, _ = _worker_slices(cid, sid)
    ebase, nb = _gather_split(cid, sid)
    pltpu.sync_copy(z2_hbm.at[pl.ds(r0, RPT)], agg_s.at[pl.ds(r0, RPT)])
    plsc.subcore_barrier()
    gi = bufs[0:NSLOT]
    si = bufs[NSLOT:2 * NSLOT]
    rows = bufs[2 * NSLOT:3 * NSLOT]
    gsem = bufs[3 * NSLOT:4 * NSLOT]
    isg = bufs[4 * NSLOT:5 * NSLOT]
    iss = bufs[5 * NSLOT:6 * NSLOT]
    _pipelined_edges(ebase, nb, h_hbm, src_hbm, dst_hbm, agg_s,
                     gi, si, rows, gsem, isg, iss)
    plsc.subcore_barrier()
    pltpu.sync_copy(agg_s.at[pl.ds(r0, RPT)], agg_out.at[cid, pl.ds(r0, RPT)])


def _edge_deg(dst_hbm, zn_hbm,
              deg_out,
              deg_s, di0, di1, ones, isd0, isd1):
    cid = lax.axis_index("c")
    sid = lax.axis_index("s")
    r0, ebase = _worker_slices(cid, sid)
    pltpu.sync_copy(zn_hbm.at[pl.ds(r0, RPT)], deg_s.at[pl.ds(r0, RPT)])

    def _init_ones(i, carry):
        def _lane(k, inner):
            ones[i, pl.ds(k * L, L)] = jnp.ones((L,), jnp.float32)
            return inner
        return lax.fori_loop(0, D // L, _lane, carry)
    lax.fori_loop(0, B, _init_ones, 0)
    plsc.subcore_barrier()

    di = (di0, di1)
    isd = (isd0, isd1)

    def _i_start(b, g):
        pltpu.async_copy(dst_hbm.at[pl.ds(ebase + g * B, B)], di[b], isd[b])

    def _i_wait(b):
        pltpu.make_async_copy(dst_hbm.at[pl.ds(0, B)], di[b], isd[b]).wait()

    _i_start(0, 0)

    def _body(b, g):
        _i_wait(b)
        _i_start(1 - b, g + 1)
        pltpu.sync_copy(ones, deg_s.at[di[b]], add=True)

    def _outer(go, carry):
        _body(0, 2 * go)
        _body(1, 2 * go + 1)
        return carry
    lax.fori_loop(0, NB // 2, _outer, 0)
    _i_wait(0)
    plsc.subcore_barrier()
    pltpu.sync_copy(deg_s.at[pl.ds(r0, RPT)], deg_out.at[cid, pl.ds(r0, RPT)])


def _edge_coef(src_hbm, dst_hbm, degp_hbm, zn_hbm,
               c_out, r_out, c_s, *bufs):
    cid = lax.axis_index("c")
    sid = lax.axis_index("s")
    r0, _ = _worker_slices(cid, sid)
    ebase, nb = _gather_split(cid, sid)
    gi = bufs[0:NSLOT]
    si = bufs[NSLOT:2 * NSLOT]
    rows = bufs[2 * NSLOT:3 * NSLOT]
    gsem = bufs[3 * NSLOT:4 * NSLOT]
    isg = bufs[4 * NSLOT:5 * NSLOT]
    iss = bufs[5 * NSLOT:6 * NSLOT]
    d0, rbuf = rows[0], rows[1]
    pltpu.sync_copy(zn_hbm.at[pl.ds(r0, RPT)], c_s.at[pl.ds(r0, RPT)])
    def _chunk(t, carry):
        q0 = r0 + t * B
        pltpu.sync_copy(degp_hbm.at[0, pl.ds(q0, B)], d0)
        pltpu.sync_copy(degp_hbm.at[1, pl.ds(q0, B)], rbuf)

        def _rcomp(i, inner):
            def _lane(k, inner2):
                s = pl.ds(k * L, L)
                rbuf[i, s] = 1.0 / jnp.maximum(d0[i, s] + rbuf[i, s], 1.0)
                return inner2
            return lax.fori_loop(0, D // L, _lane, inner)
        lax.fori_loop(0, B, _rcomp, 0)
        pltpu.sync_copy(rbuf, r_out.at[cid, pl.ds(q0, B)])
        return carry
    lax.fori_loop(0, RPT // B, _chunk, 0)
    plsc.subcore_barrier()
    _pipelined_edges(ebase, nb, r_out.at[cid], dst_hbm, src_hbm, c_s,
                     gi, si, rows, gsem, isg, iss)
    plsc.subcore_barrier()
    pltpu.sync_copy(c_s.at[pl.ds(r0, RPT)], c_out.at[cid, pl.ds(r0, RPT)])


@functools.cache
def _sc_calls():
    mesh = plsc.VectorSubcoreMesh(
        core_axis_name="c", subcore_axis_name="s",
        num_cores=NC, num_subcores=NS)
    idx2 = [pltpu.VMEM((B,), jnp.int32)] * (2 * NSLOT)
    rows2 = [pltpu.VMEM((B, D), jnp.float32)] * NSLOT
    sems6 = [pltpu.SemaphoreType.DMA] * (3 * NSLOT)
    edge_agg = pl.kernel(
        _edge_agg,
        out_type=jax.ShapeDtypeStruct((NC, NPAD, D), jnp.float32),
        mesh=mesh,
        scratch_types=(
            [pltpu.VMEM_SHARED((NPAD, D), jnp.float32)]
            + idx2 + rows2 + sems6),
    )
    edge_deg = pl.kernel(
        _edge_deg,
        out_type=jax.ShapeDtypeStruct((NC, NPAD, D), jnp.float32),
        mesh=mesh,
        scratch_types=[
            pltpu.VMEM_SHARED((NPAD, D), jnp.float32),
            pltpu.VMEM((B,), jnp.int32),
            pltpu.VMEM((B,), jnp.int32),
            pltpu.VMEM((B, D), jnp.float32),
            pltpu.SemaphoreType.DMA,
            pltpu.SemaphoreType.DMA,
        ],
    )
    edge_coef = pl.kernel(
        _edge_coef,
        out_type=(jax.ShapeDtypeStruct((NC, NPAD, D), jnp.float32),
                  jax.ShapeDtypeStruct((NC, NPAD, D), jnp.float32)),
        mesh=mesh,
        scratch_types=(
            [pltpu.VMEM_SHARED((NPAD, D), jnp.float32)]
            + idx2 + rows2 + sems6),
    )
    return edge_agg, edge_deg, edge_coef


def _dense_body(h_ref, agg_ref, r_ref, c_ref,
                w1s_ref, w1n_ref, b1_ref, w2s_ref, w2n_ref, b2_ref,
                wc_ref, pf_ref, bc_ref,
                out_ref, s0_ref, s1_ref):
    i = pl.program_id(0)

    @pl.when(i == 0)
    def _():
        s0_ref[...] = jnp.zeros_like(s0_ref)
        s1_ref[...] = jnp.zeros_like(s1_ref)

    agg = agg_ref[0] + agg_ref[1]
    hn = agg * r_ref[:, :1]
    h1 = h_ref[...] @ w1s_ref[...] + hn @ w1n_ref[...] + b1_ref[...]
    h1 = jnp.maximum(h1, 0.0)
    row = i * BR + lax.broadcasted_iota(jnp.int32, (BR, 1), 0)
    valid = (row < N).astype(jnp.float32)
    s0_ref[...] += jnp.sum(h1 * valid, axis=0, keepdims=True)
    cc = (c_ref[0, :, :1] + c_ref[1, :, :1]) * valid
    s1_ref[...] += jnp.sum(h1 * cc, axis=0, keepdims=True)

    @pl.when(i == NPAD // BR - 1)
    def _():
        inv_n = 1.0 / N
        hg = s0_ref[...] * inv_n
        m1 = s1_ref[...] * inv_n
        h2m = hg @ w2s_ref[...] + m1 @ w2n_ref[...] + b2_ref[...]
        out_ref[...] = (h2m @ wc_ref[:D, :] + pf_ref[...] @ wc_ref[D:, :]
                        + bc_ref[...])


_dense_call = pl.pallas_call(
    _dense_body,
    grid=(NPAD // BR,),
    in_specs=[
        pl.BlockSpec((BR, D), lambda i: (i, 0)),
        pl.BlockSpec((NC, BR, D), lambda i: (0, i, 0)),
        pl.BlockSpec((BR, D), lambda i: (i, 0)),
        pl.BlockSpec((NC, BR, D), lambda i: (0, i, 0)),
        pl.BlockSpec((D, HID), lambda i: (0, 0)),
        pl.BlockSpec((D, HID), lambda i: (0, 0)),
        pl.BlockSpec((1, HID), lambda i: (0, 0)),
        pl.BlockSpec((HID, HID), lambda i: (0, 0)),
        pl.BlockSpec((HID, HID), lambda i: (0, 0)),
        pl.BlockSpec((1, HID), lambda i: (0, 0)),
        pl.BlockSpec((HID + PERM, NCLS), lambda i: (0, 0)),
        pl.BlockSpec((1, PERM), lambda i: (0, 0)),
        pl.BlockSpec((1, NCLS), lambda i: (0, 0)),
    ],
    out_specs=pl.BlockSpec((1, NCLS), lambda i: (0, 0)),
    out_shape=jax.ShapeDtypeStruct((1, NCLS), jnp.float32),
    scratch_shapes=[
        pltpu.VMEM((1, HID), jnp.float32),
        pltpu.VMEM((1, HID), jnp.float32),
    ],
)


def kernel(h, edge_index, perm_features, W1_self, W1_neigh, b1,
           W2_self, W2_neigh, b2, Wc, bc):
    edge_agg, edge_deg, edge_coef = _sc_calls()
    ei = edge_index.astype(jnp.int32)
    pad_idx = jnp.full((EPAD + NSLOT * B - E,), N, jnp.int32)
    src = jnp.concatenate([ei[0], pad_idx])
    dst = jnp.concatenate([ei[1], pad_idx])
    h_pad = jnp.pad(h, ((0, NPAD - N), (0, 0)))
    z2 = jnp.zeros((NPAD, D), jnp.float32)

    agg_parts = edge_agg(h_pad, src, dst, z2)
    deg_parts = edge_deg(dst, z2)
    c_parts, r_tab = edge_coef(src, dst, deg_parts, z2)

    return _dense_call(
        h_pad, agg_parts, r_tab[0], c_parts,
        W1_self, W1_neigh, b1.reshape(1, HID),
        W2_self, W2_neigh, b2.reshape(1, HID),
        Wc, perm_features, bc.reshape(1, NCLS))

# --- scband reference (transcript-rebuilt; emitter-appended) ---
"""Pipeline reference for scband-graph-sagemodel-42863773614470 (READ-ONLY COPY).

The authoritative reference and input builder live on the scoring server;
editing this copy changes nothing except your own understanding.
"""

import jax, jax.numpy as jnp
import numpy as np

N_NODES = 10000
N_EDGES = 320000
IN_DIM = 128
HID = 128
NUM_CLASSES = 10
PERM_LEN = 16


def setup_inputs(seed: int = 0) -> dict:
    key = jax.random.key(seed)
    ks = jax.random.split(key, 12)
    h = jax.random.normal(ks[0], (N_NODES, IN_DIM), dtype=jnp.float32)
    edge_index = jax.random.randint(ks[1], (2, N_EDGES), 0, N_NODES, dtype=jnp.int64)
    perm_features = jax.random.normal(ks[2], (1, PERM_LEN), dtype=jnp.float32)
    s1 = 1.0 / np.sqrt(IN_DIM)
    s2 = 1.0 / np.sqrt(HID)
    sc = 1.0 / np.sqrt(HID + PERM_LEN)
    W1_self = jax.random.uniform(ks[3], (IN_DIM, HID), jnp.float32, -s1, s1)
    W1_neigh = jax.random.uniform(ks[4], (IN_DIM, HID), jnp.float32, -s1, s1)
    b1 = jnp.zeros((HID,), jnp.float32)
    W2_self = jax.random.uniform(ks[5], (HID, HID), jnp.float32, -s2, s2)
    W2_neigh = jax.random.uniform(ks[6], (HID, HID), jnp.float32, -s2, s2)
    b2 = jnp.zeros((HID,), jnp.float32)
    Wc = jax.random.uniform(ks[7], (HID + PERM_LEN, NUM_CLASSES), jnp.float32, -sc, sc)
    bc = jnp.zeros((NUM_CLASSES,), jnp.float32)
    return {"h": h, "edge_index": edge_index, "perm_features": perm_features,
            "W1_self": W1_self, "W1_neigh": W1_neigh, "b1": b1,
            "W2_self": W2_self, "W2_neigh": W2_neigh, "b2": b2,
            "Wc": Wc, "bc": bc}


def _sage_conv_mean(x, edge_index, W_self, W_neigh, b):
    # DGL SAGEConv with 'mean' aggregator: fc_self(h) + fc_neigh(mean_{u in N(v)} h_u) + bias
    src = edge_index[0]
    dst = edge_index[1]
    msgs = jnp.take(x, src, axis=0)                       # gather  [E, d]
    agg = jax.ops.segment_sum(msgs, dst, num_segments=N_NODES)  # scatter-add
    deg = jax.ops.segment_sum(jnp.ones((msgs.shape[0],), jnp.float32), dst, num_segments=N_NODES)
    h_neigh = agg / jnp.maximum(deg, 1.0)[:, None]
    return x @ W_self + h_neigh @ W_neigh + b


def reference(h, edge_index, perm_features, W1_self, W1_neigh, b1, W2_self, W2_neigh, b2, Wc, bc):
    h1 = _sage_conv_mean(h, edge_index, W1_self, W1_neigh, b1)
    h1 = jax.nn.relu(h1)
    h2 = _sage_conv_mean(h1, edge_index, W2_self, W2_neigh, b2)
    # dgl.mean_nodes over a single graph in the batch -> [1, HID]
    hg = jnp.mean(h2, axis=0, keepdims=True)
    combined = jnp.concatenate([hg, perm_features], axis=1)
    return combined @ Wc + bc

if __name__ == "__main__":
    import jax
    _d = setup_inputs()
    print(jax.jit(kernel)(*tuple(_d.values())))

</pallas_src>

<mosaic_0001>
#map = affine_map<(d0, d1) -> (0)>
#map1 = affine_map<(d0, d1) -> (0, 0, 0)>
#map2 = affine_map<(d0, d1) -> (0, 0)>
module attributes {stable_mosaic.version = 14 : i64} {
  func.func @_edge_coef(%arg0: i32, %arg1: i32, %arg2: memref<327936xi32, #tpu.memory_space<hbm>>, %arg3: memref<327936xi32, #tpu.memory_space<hbm>>, %arg4: memref<2x10240x128xf32, #tpu.memory_space<hbm>>, %arg5: memref<10240x128xf32, #tpu.memory_space<hbm>>, %arg6: memref<2x10240x128xf32, #tpu.memory_space<hbm>>, %arg7: memref<2x10240x128xf32, #tpu.memory_space<hbm>>, %arg8: memref<10240x128xf32, #tpu.memory_space<vmem_shared>>, %arg9: memref<128xi32, #tpu.memory_space<vmem>>, %arg10: memref<128xi32, #tpu.memory_space<vmem>>, %arg11: memref<128xi32, #tpu.memory_space<vmem>>, %arg12: memref<128xi32, #tpu.memory_space<vmem>>, %arg13: memref<128x128xf32, #tpu.memory_space<vmem>>, %arg14: memref<128x128xf32, #tpu.memory_space<vmem>>, %arg15: memref<!tpu.dma_semaphore, #tpu.memory_space<semaphore_mem>>, %arg16: memref<!tpu.dma_semaphore, #tpu.memory_space<semaphore_mem>>, %arg17: memref<!tpu.dma_semaphore, #tpu.memory_space<semaphore_mem>>, %arg18: memref<!tpu.dma_semaphore, #tpu.memory_space<semaphore_mem>>, %arg19: memref<!tpu.dma_semaphore, #tpu.memory_space<semaphore_mem>>, %arg20: memref<!tpu.dma_semaphore, #tpu.memory_space<semaphore_mem>>) attributes {dimension_semantics = [#tpu.dimension_semantics<core_parallel>, #tpu.dimension_semantics<subcore_parallel>], iteration_bounds = array<i64: 2, 16>, scalar_prefetch = 0 : i64, scratch_operands = 13 : i64, tpu.core_type = #tpu.core_type<sc_vector_subcore>, window_params = [{transform_indices = #map}, {transform_indices = #map}, {transform_indices = #map1}, {transform_indices = #map2}, {transform_indices = #map1}, {transform_indices = #map1}]} {
    %mul3A = arith.constant 640 : i32
    %mul3A_0 = arith.muli %arg1, %mul3A : i32
    %mul3A_1 = arith.constant 16 : i32
    %mul3A_2 = arith.muli %arg0, %mul3A_1 : i32
    %add3A = arith.addi %mul3A_2, %arg1 : i32
    %mul3A_3 = arith.constant 10240 : i32
    %mul3A_4 = arith.muli %add3A, %mul3A_3 : i32
    %eq3A = arith.constant 0 : i32
    %eq3A_5 = arith.cmpi eq, %arg0, %eq3A : i32
    %mul3A_6 = arith.constant 19456 : i32
    %mul3A_7 = arith.muli %arg1, %mul3A_6 : i32
    %mul3A_8 = arith.constant 1024 : i32
    %mul3A_9 = arith.muli %arg1, %mul3A_8 : i32
    %add3A_10 = arith.constant 311296 : i32
    %add3A_11 = arith.addi %add3A_10, %mul3A_9 : i32
    %select_n3A = arith.select %eq3A_5, %mul3A_7, %add3A_11 : i32
    %eq3A_12 = arith.constant 0 : i32
    %eq3A_13 = arith.cmpi eq, %arg0, %eq3A_12 : i32
    %jit3A = arith.constant 152 : i32
    %jit3A_14 = arith.constant 8 : i32
    %select_n3A_15 = arith.select %eq3A_13, %jit3A, %jit3A_14 : i32
    "tpu.region"() ({
      %run_scoped3A = tpu.sem_alloc : memref<!tpu.dma_semaphore, #tpu.memory_space<semaphore_mem>>
      %dma_start3A_89 = arith.constant 0 : i32
      %dma_start3A_90 = tpu.memref_slice %arg8[%mul3A_0, %dma_start3A_89] : memref<10240x128xf32, #tpu.memory_space<vmem_shared>> -> memref<640x128xf32, #tpu.memory_space<vmem_shared>>
      %dma_start3A_91 = arith.constant 0 : i32
      %dma_start3A_92 = tpu.memref_slice %arg5[%mul3A_0, %dma_start3A_91] : memref<10240x128xf32, #tpu.memory_space<hbm>> -> memref<640x128xf32, #tpu.memory_space<hbm>>
      tpu.enqueue_dma source(%dma_start3A_92 : memref<640x128xf32, #tpu.memory_space<hbm>>) target(%dma_start3A_90 : memref<640x128xf32, #tpu.memory_space<vmem_shared>>) target_semaphore(%run_scoped3A : memref<!tpu.dma_semaphore, #tpu.memory_space<semaphore_mem>>)
      %dma_wait3A_93 = arith.constant 0 : i32
      %dma_wait3A_94 = tpu.memref_slice %arg8[%mul3A_0, %dma_wait3A_93] : memref<10240x128xf32, #tpu.memory_space<vmem_shared>> -> memref<640x128xf32, #tpu.memory_space<vmem_shared>>
      %dma_wait3A_95 = arith.constant 0 : i32
      %dma_wait3A_96 = tpu.memref_slice %arg5[%mul3A_0, %dma_wait3A_95] : memref<10240x128xf32, #tpu.memory_space<hbm>> -> memref<640x128xf32, #tpu.memory_space<hbm>>
      tpu.wait_dma2 semaphore(%run_scoped3A : memref<!tpu.dma_semaphore, #tpu.memory_space<semaphore_mem>>) src(%dma_wait3A_96 : memref<640x128xf32, #tpu.memory_space<hbm>>) dst(%dma_wait3A_94 : memref<640x128xf32, #tpu.memory_space<vmem_shared>>)
      tpu.yield
    }) : () -> ()
    %scan3A = arith.constant 0 : i32
    %scan3A_16 = arith.constant 0 : i32
    %scan3A_17 = arith.constant 5 : i32
    %scan3A_18 = arith.addi %scan3A_16, %scan3A_17 : i32
    %scan3A_19 = arith.constant 1 : i32
    scf.for %scan3A_89 = %scan3A_16 to %scan3A_18 step %scan3A_19  : i32 {
      %mul3A_90 = arith.constant 128 : i32
      %mul3A_91 = arith.muli %scan3A_89, %mul3A_90 : i32
      %add3A_92 = arith.addi %mul3A_0, %mul3A_91 : i32
      %run_scoped3A = arith.constant 0 : i32
      "tpu.region"() ({
        %run_scoped3A_100 = tpu.sem_alloc : memref<!tpu.dma_semaphore, #tpu.memory_space<semaphore_mem>>
        %dma_start3A_101 = arith.constant 0 : i32
        %dma_start3A_102 = tpu.memref_slice %arg4[%run_scoped3A, %add3A_92, %dma_start3A_101] : memref<2x10240x128xf32, #tpu.memory_space<hbm>> -> memref<1x128x128xf32, #tpu.memory_space<hbm>>
        %dma_start3A_103 = tpu.memref_squeeze %dma_start3A_102 : memref<1x128x128xf32, #tpu.memory_space<hbm>> -> memref<128x128xf32, #tpu.memory_space<hbm>>
        %dma_start3A_104 = arith.constant 0 : i32
        %dma_start3A_105 = tpu.memref_slice %arg4[%run_scoped3A, %add3A_92, %dma_start3A_104] : memref<2x10240x128xf32, #tpu.memory_space<hbm>> -> memref<1x128x128xf32, #tpu.memory_space<hbm>>
        %dma_start3A_106 = tpu.memref_squeeze %dma_start3A_105 : memref<1x128x128xf32, #tpu.memory_space<hbm>> -> memref<128x128xf32, #tpu.memory_space<hbm>>
        tpu.enqueue_dma source(%dma_start3A_106 : memref<128x128xf32, #tpu.memory_space<hbm>>) target(%arg13 : memref<128x128xf32, #tpu.memory_space<vmem>>) target_semaphore(%run_scoped3A_100 : memref<!tpu.dma_semaphore, #tpu.memory_space<semaphore_mem>>)
        %dma_wait3A_107 = arith.constant 0 : i32
        %dma_wait3A_108 = tpu.memref_slice %arg4[%run_scoped3A, %add3A_92, %dma_wait3A_107] : memref<2x10240x128xf32, #tpu.memory_space<hbm>> -> memref<1x128x128xf32, #tpu.memory_space<hbm>>
        %dma_wait3A_109 = tpu.memref_squeeze %dma_wait3A_108 : memref<1x128x128xf32, #tpu.memory_space<hbm>> -> memref<128x128xf32, #tpu.memory_space<hbm>>
        %dma_wait3A_110 = arith.constant 0 : i32
        %dma_wait3A_111 = tpu.memref_slice %arg4[%run_scoped3A, %add3A_92, %dma_wait3A_110] : memref<2x10240x128xf32, #tpu.memory_space<hbm>> -> memref<1x128x128xf32, #tpu.memory_space<hbm>>
        %dma_wait3A_112 = tpu.memref_squeeze %dma_wait3A_111 : memref<1x128x128xf32, #tpu.memory_space<hbm>> -> memref<128x128xf32, #tpu.memory_space<hbm>>
        tpu.wait_dma2 semaphore(%run_scoped3A_100 : memref<!tpu.dma_semaphore, #tpu.memory_space<semaphore_mem>>) src(%dma_wait3A_112 : memref<128x128xf32, #tpu.memory_space<hbm>>) dst(%arg13 : memref<128x128xf32, #tpu.memory_space<vmem>>)
        tpu.yield
      }) : () -> ()
      %run_scoped3A_93 = arith.constant 1 : i32
      "tpu.region"() ({
        %run_scoped3A_100 = tpu.sem_alloc : memref<!tpu.dma_semaphore, #tpu.memory_space<semaphore_mem>>
        %dma_start3A_101 = arith.constant 0 : i32
        %dma_start3A_102 = tpu.memref_slice %arg4[%run_scoped3A_93, %add3A_92, %dma_start3A_101] : memref<2x10240x128xf32, #tpu.memory_space<hbm>> -> memref<1x128x128xf32, #tpu.memory_space<hbm>>
        %dma_start3A_103 = tpu.memref_squeeze %dma_start3A_102 : memref<1x128x128xf32, #tpu.memory_space<hbm>> -> memref<128x128xf32, #tpu.memory_space<hbm>>
        %dma_start3A_104 = arith.constant 0 : i32
        %dma_start3A_105 = tpu.memref_slice %arg4[%run_scoped3A_93, %add3A_92, %dma_start3A_104] : memref<2x10240x128xf32, #tpu.memory_space<hbm>> -> memref<1x128x128xf32, #tpu.memory_space<hbm>>
        %dma_start3A_106 = tpu.memref_squeeze %dma_start3A_105 : memref<1x128x128xf32, #tpu.memory_space<hbm>> -> memref<128x128xf32, #tpu.memory_space<hbm>>
        tpu.enqueue_dma source(%dma_start3A_106 : memref<128x128xf32, #tpu.memory_space<hbm>>) target(%arg14 : memref<128x128xf32, #tpu.memory_space<vmem>>) target_semaphore(%run_scoped3A_100 : memref<!tpu.dma_semaphore, #tpu.memory_space<semaphore_mem>>)
        %dma_wait3A_107 = arith.constant 0 : i32
        %dma_wait3A_108 = tpu.memref_slice %arg4[%run_scoped3A_93, %add3A_92, %dma_wait3A_107] : memref<2x10240x128xf32, #tpu.memory_space<hbm>> -> memref<1x128x128xf32, #tpu.memory_space<hbm>>
        %dma_wait3A_109 = tpu.memref_squeeze %dma_wait3A_108 : memref<1x128x128xf32, #tpu.memory_space<hbm>> -> memref<128x128xf32, #tpu.memory_space<hbm>>
        %dma_wait3A_110 = arith.constant 0 : i32
        %dma_wait3A_111 = tpu.memref_slice %arg4[%run_scoped3A_93, %add3A_92, %dma_wait3A_110] : memref<2x10240x128xf32, #tpu.memory_space<hbm>> -> memref<1x128x128xf32, #tpu.memory_space<hbm>>
        %dma_wait3A_112 = tpu.memref_squeeze %dma_wait3A_111 : memref<1x128x128xf32, #tpu.memory_space<hbm>> -> memref<128x128xf32, #tpu.memory_space<hbm>>
        tpu.wait_dma2 semaphore(%run_scoped3A_100 : memref<!tpu.dma_semaphore, #tpu.memory_space<semaphore_mem>>) src(%dma_wait3A_112 : memref<128x128xf32, #tpu.memory_space<hbm>>) dst(%arg14 : memref<128x128xf32, #tpu.memory_space<vmem>>)
        tpu.yield
      }) : () -> ()
      %scan3A_94 = arith.constant 0 : i32
      %scan3A_95 = arith.constant 0 : i32
      %scan3A_96 = arith.constant 128 : i32
      %scan3A_97 = arith.addi %scan3A_95, %scan3A_96 : i32
      %scan3A_98 = arith.constant 1 : i32
      scf.for %scan3A_100 = %scan3A_95 to %scan3A_97 step %scan3A_98  : i32 {
        %scan3A_101 = arith.constant 0 : i32
        %scan3A_102 = arith.constant 8 : i32
        %scan3A_103 = arith.addi %scan3A_101, %scan3A_102 : i32
        %scan3A_104 = arith.constant 1 : i32
        scf.for %scan3A_106 = %scan3A_101 to %scan3A_103 step %scan3A_104  : i32 {
          %mul3A_107 = arith.constant 16 : i32
          %mul3A_108 = arith.muli %scan3A_106, %mul3A_107 : i32
          %get3A = arith.index_cast %scan3A_100 : i32 to index
          %get3A_109 = arith.index_cast %mul3A_108 : i32 to index
          %get3A_110 = tpu.vector_load %arg13[%get3A, %get3A_109] {strides = array<i32>} : memref<128x128xf32, #tpu.memory_space<vmem>>, vector<1x16xf32>,
          %get3A_111 = vector.shape_cast %get3A_110 : vector<1x16xf32> to vector<16xf32>
          %get3A_112 = arith.index_cast %scan3A_100 : i32 to index
          %get3A_113 = arith.index_cast %mul3A_108 : i32 to index
          %get3A_114 = tpu.vector_load %arg14[%get3A_112, %get3A_113] {strides = array<i32>} : memref<128x128xf32, #tpu.memory_space<vmem>>, vector<1x16xf32>,
          %get3A_115 = vector.shape_cast %get3A_114 : vector<1x16xf32> to vector<16xf32>
          %add3A_116 = arith.addf %get3A_111, %get3A_115 : vector<16xf32>
          %max3A = arith.constant 1.000000e+00 : f32
          %max3A_117 = vector.broadcast %max3A : f32 to vector<16xf32>
          %max3A_118 = arith.maximumf %add3A_116, %max3A_117 : vector<16xf32>
          %div3A_119 = arith.constant 1.000000e+00 : f32
          %div3A_120 = vector.broadcast %div3A_119 : f32 to vector<16xf32>
          %div3A_121 = arith.divf %div3A_120, %max3A_118 : vector<16xf32>
          %swap3A = arith.index_cast %scan3A_100 : i32 to index
          %swap3A_122 = arith.index_cast %mul3A_108 : i32 to index
          %swap3A_123 = tpu.vector_load %arg14[%swap3A, %swap3A_122] {strides = array<i32>} : memref<128x128xf32, #tpu.memory_space<vmem>>, vector<1x16xf32>,
          %swap3A_124 = vector.shape_cast %swap3A_123 : vector<1x16xf32> to vector<16xf32>
          %swap3A_125 = vector.shape_cast %div3A_121 : vector<16xf32> to vector<1x16xf32>
          tpu.vector_store %arg14[%swap3A, %swap3A_122], %swap3A_125 {strides = array<i32>} : memref<128x128xf32, #tpu.memory_space<vmem>>, vector<1x16xf32>,
        }
        %scan3A_105 = arith.constant 8 : i32
      }
      %scan3A_99 = arith.constant 128 : i32
      "tpu.region"() ({
        %run_scoped3A_100 = tpu.sem_alloc : memref<!tpu.dma_semaphore, #tpu.memory_space<semaphore_mem>>
        %dma_start3A_101 = arith.constant 0 : i32
        %dma_start3A_102 = tpu.memref_slice %arg7[%arg0, %add3A_92, %dma_start3A_101] : memref<2x10240x128xf32, #tpu.memory_space<hbm>> -> memref<1x128x128xf32, #tpu.memory_space<hbm>>
        %dma_start3A_103 = tpu.memref_squeeze %dma_start3A_102 : memref<1x128x128xf32, #tpu.memory_space<hbm>> -> memref<128x128xf32, #tpu.memory_space<hbm>>
        %dma_start3A_104 = arith.constant 0 : i32
        %dma_start3A_105 = tpu.memref_slice %arg7[%arg0, %add3A_92, %dma_start3A_104] : memref<2x10240x128xf32, #tpu.memory_space<hbm>> -> memref<1x128x128xf32, #tpu.memory_space<hbm>>
        %dma_start3A_106 = tpu.memref_squeeze %dma_start3A_105 : memref<1x128x128xf32, #tpu.memory_space<hbm>> -> memref<128x128xf32, #tpu.memory_space<hbm>>
        tpu.enqueue_dma source(%arg14 : memref<128x128xf32, #tpu.memory_space<vmem>>) target(%dma_start3A_106 : memref<128x128xf32, #tpu.memory_space<hbm>>) target_semaphore(%run_scoped3A_100 : memref<!tpu.dma_semaphore, #tpu.memory_space<semaphore_mem>>)
        %dma_wait3A_107 = arith.constant 0 : i32
        %dma_wait3A_108 = tpu.memref_slice %arg7[%arg0, %add3A_92, %dma_wait3A_107] : memref<2x10240x128xf32, #tpu.memory_space<hbm>> -> memref<1x128x128xf32, #tpu.memory_space<hbm>>
        %dma_wait3A_109 = tpu.memref_squeeze %dma_wait3A_108 : memref<1x128x128xf32, #tpu.memory_space<hbm>> -> memref<128x128xf32, #tpu.memory_space<hbm>>
        %dma_wait3A_110 = arith.constant 0 : i32
        %dma_wait3A_111 = tpu.memref_slice %arg7[%arg0, %add3A_92, %dma_wait3A_110] : memref<2x10240x128xf32, #tpu.memory_space<hbm>> -> memref<1x128x128xf32, #tpu.memory_space<hbm>>
        %dma_wait3A_112 = tpu.memref_squeeze %dma_wait3A_111 : memref<1x128x128xf32, #tpu.memory_space<hbm>> -> memref<128x128xf32, #tpu.memory_space<hbm>>
        tpu.wait_dma2 semaphore(%run_scoped3A_100 : memref<!tpu.dma_semaphore, #tpu.memory_space<semaphore_mem>>) src(%arg14 : memref<128x128xf32, #tpu.memory_space<vmem>>) dst(%dma_wait3A_112 : memref<128x128xf32, #tpu.memory_space<hbm>>)
        tpu.yield
      }) : () -> ()
    }
    %scan3A_20 = arith.constant 5 : i32
    %barrier3A = arith.constant 0 : index
    tpu.barrier barrier_id(%barrier3A)
    %add3A_21 = arith.constant 0 : i32
    %add3A_22 = arith.addi %select_n3A, %add3A_21 : i32
    %dma_start3A = tpu.memref_slice %arg3[%add3A_22] : memref<327936xi32, #tpu.memory_space<hbm>> -> memref<128xi32, #tpu.memory_space<hbm>>
    %dma_start3A_23 = tpu.memref_slice %arg3[%add3A_22] : memref<327936xi32, #tpu.memory_space<hbm>> -> memref<128xi32, #tpu.memory_space<hbm>>
    tpu.enqueue_dma source(%dma_start3A_23 : memref<128xi32, #tpu.memory_space<hbm>>) target(%arg9 : memref<128xi32, #tpu.memory_space<vmem>>) target_semaphore(%arg17 : memref<!tpu.dma_semaphore, #tpu.memory_space<semaphore_mem>>)
    %dma_start3A_24 = tpu.memref_slice %arg2[%add3A_22] : memref<327936xi32, #tpu.memory_space<hbm>> -> memref<128xi32, #tpu.memory_space<hbm>>
    %dma_start3A_25 = tpu.memref_slice %arg2[%add3A_22] : memref<327936xi32, #tpu.memory_space<hbm>> -> memref<128xi32, #tpu.memory_space<hbm>>
    tpu.enqueue_dma source(%dma_start3A_25 : memref<128xi32, #tpu.memory_space<hbm>>) target(%arg11 : memref<128xi32, #tpu.memory_space<vmem>>) target_semaphore(%arg19 : memref<!tpu.dma_semaphore, #tpu.memory_space<semaphore_mem>>)
    %dma_wait3A = arith.constant 0 : i32
    %dma_wait3A_26 = tpu.memref_slice %arg3[%dma_wait3A] : memref<327936xi32, #tpu.memory_space<hbm>> -> memref<128xi32, #tpu.memory_space<hbm>>
    %dma_wait3A_27 = arith.constant 0 : i32
    %dma_wait3A_28 = tpu.memref_slice %arg3[%dma_wait3A_27] : memref<327936xi32, #tpu.memory_space<hbm>> -> memref<128xi32, #tpu.memory_space<hbm>>
    tpu.wait_dma2 semaphore(%arg17 : memref<!tpu.dma_semaphore, #tpu.memory_space<semaphore_mem>>) src(%dma_wait3A_28 : memref<128xi32, #tpu.memory_space<hbm>>) dst(%arg9 : memref<128xi32, #tpu.memory_space<vmem>>)
    %dma_wait3A_29 = arith.constant 0 : i32
    %dma_wait3A_30 = tpu.memref_slice %arg2[%dma_wait3A_29] : memref<327936xi32, #tpu.memory_space<hbm>> -> memref<128xi32, #tpu.memory_space<hbm>>
    %dma_wait3A_31 = arith.constant 0 : i32
    %dma_wait3A_32 = tpu.memref_slice %arg2[%dma_wait3A_31] : memref<327936xi32, #tpu.memory_space<hbm>> -> memref<128xi32, #tpu.memory_space<hbm>>
    tpu.wait_dma2 semaphore(%arg19 : memref<!tpu.dma_semaphore, #tpu.memory_space<semaphore_mem>>) src(%dma_wait3A_32 : memref<128xi32, #tpu.memory_space<hbm>>) dst(%arg11 : memref<128xi32, #tpu.memory_space<vmem>>)
    %dma_start3A_33 = arith.constant 0 : i32
    %dma_start3A_34 = arith.constant 0 : i32
    %dma_start3A_35 = tpu.memref_slice %arg7[%arg0, %dma_start3A_33, %dma_start3A_34] : memref<2x10240x128xf32, #tpu.memory_space<hbm>> -> memref<1x10240x128xf32, #tpu.memory_space<hbm>>
    %dma_start3A_36 = tpu.memref_squeeze %dma_start3A_35 : memref<1x10240x128xf32, #tpu.memory_space<hbm>> -> memref<10240x128xf32, #tpu.memory_space<hbm>>
    %dma_start3A_37 = arith.constant 0 : i32
    %dma_start3A_38 = arith.constant 0 : i32
    %dma_start3A_39 = tpu.memref_slice %dma_start3A_36[%dma_start3A_37, %dma_start3A_38] : memref<10240x128xf32, #tpu.memory_space<hbm>> -> memref<10240x128xf32, #tpu.memory_space<hbm>>
    tpu.enqueue_indirect_dma source(%dma_start3A_39 : memref<10240x128xf32, #tpu.memory_space<hbm>>) target(%arg13 : memref<128x128xf32, #tpu.memory_space<vmem>>) offsets(%arg9 : memref<128xi32, #tpu.memory_space<vmem>>) semaphore(%arg15 : memref<!tpu.dma_semaphore, #tpu.memory_space<semaphore_mem>>)
    %add3A_40 = arith.constant 128 : i32
    %add3A_41 = arith.addi %select_n3A, %add3A_40 : i32
    %dma_start3A_42 = tpu.memref_slice %arg3[%add3A_41] : memref<327936xi32, #tpu.memory_space<hbm>> -> memref<128xi32, #tpu.memory_space<hbm>>
    %dma_start3A_43 = tpu.memref_slice %arg3[%add3A_41] : memref<327936xi32, #tpu.memory_space<hbm>> -> memref<128xi32, #tpu.memory_space<hbm>>
    tpu.enqueue_dma source(%dma_start3A_43 : memref<128xi32, #tpu.memory_space<hbm>>) target(%arg10 : memref<128xi32, #tpu.memory_space<vmem>>) target_semaphore(%arg18 : memref<!tpu.dma_semaphore, #tpu.memory_space<semaphore_mem>>)
    %dma_start3A_44 = tpu.memref_slice %arg2[%add3A_41] : memref<327936xi32, #tpu.memory_space<hbm>> -> memref<128xi32, #tpu.memory_space<hbm>>
    %dma_start3A_45 = tpu.memref_slice %arg2[%add3A_41] : memref<327936xi32, #tpu.memory_space<hbm>> -> memref<128xi32, #tpu.memory_space<hbm>>
    tpu.enqueue_dma source(%dma_start3A_45 : memref<128xi32, #tpu.memory_space<hbm>>) target(%arg12 : memref<128xi32, #tpu.memory_space<vmem>>) target_semaphore(%arg20 : memref<!tpu.dma_semaphore, #tpu.memory_space<semaphore_mem>>)
    %jit3A_46 = arith.constant 2 : i32
    %div3A = arith.divsi %select_n3A_15, %jit3A_46 : i32
    %sign3A = arith.constant 0 : i32
    %sign3A_47 = arith.cmpi sgt, %select_n3A_15, %sign3A : i32
    %sign3A_48 = arith.extui %sign3A_47 : i1 to i32
    %sign3A_49 = arith.constant 0 : i32
    %sign3A_50 = arith.cmpi slt, %select_n3A_15, %sign3A_49 : i32
    %sign3A_51 = arith.extui %sign3A_50 : i1 to i32
    %sign3A_52 = arith.subi %sign3A_48, %sign3A_51 : i32
    %sign3A_53 = arith.constant 0 : i32
    %sign3A_54 = arith.cmpi sgt, %jit3A_46, %sign3A_53 : i32
    %sign3A_55 = arith.extui %sign3A_54 : i1 to i32
    %sign3A_56 = arith.constant 0 : i32
    %sign3A_57 = arith.cmpi slt, %jit3A_46, %sign3A_56 : i32
    %sign3A_58 = arith.extui %sign3A_57 : i1 to i32
    %sign3A_59 = arith.subi %sign3A_55, %sign3A_58 : i32
    %ne3A = arith.cmpi ne, %sign3A_52, %sign3A_59 : i32
    %rem3A = arith.remsi %select_n3A_15, %jit3A_46 : i32
    %ne3A_60 = arith.constant 0 : i32
    %ne3A_61 = arith.cmpi ne, %rem3A, %ne3A_60 : i32
    %and3A = arith.andi %ne3A, %ne3A_61 : i1
    %sub3A = arith.constant 1 : i32
    %sub3A_62 = arith.subi %div3A, %sub3A : i32
    %select_n3A_63 = arith.select %and3A, %sub3A_62, %div3A : i32
    %while3A = arith.constant 0 : i32
    %while3A_64 = arith.constant 0 : i32
    %while3A_65 = arith.subi %select_n3A_63, %while3A_64 : i32
    %while3A_66 = arith.addi %while3A_64, %while3A_65 : i32
    %while3A_67 = arith.constant 1 : i32
    %while3A_68 = arith.divsi %while3A_65, %while3A_67 : i32
    %while3A_69 = arith.muli %while3A_68, %while3A_67 : i32
    %while3A_70 = arith.addi %while3A_64, %while3A_69 : i32
    %while3A_71 = arith.constant 1 : i32
    scf.for %while3A_89 = %while3A_64 to %while3A_70 step %while3A_71  : i32 {
      %mul3A_90 = arith.constant 2 : i32
      %mul3A_91 = arith.muli %mul3A_90, %while3A_89 : i32
      %add3A_92 = arith.constant 0 : i32
      %add3A_93 = arith.addi %mul3A_91, %add3A_92 : i32
      %dma_wait3A_94 = arith.constant 0 : i32
      %dma_wait3A_95 = arith.constant 0 : i32
      %dma_wait3A_96 = tpu.memref_slice %arg7[%arg0, %dma_wait3A_94, %dma_wait3A_95] : memref<2x10240x128xf32, #tpu.memory_space<hbm>> -> memref<1x10240x128xf32, #tpu.memory_space<hbm>>
      %dma_wait3A_97 = tpu.memref_squeeze %dma_wait3A_96 : memref<1x10240x128xf32, #tpu.memory_space<hbm>> -> memref<10240x128xf32, #tpu.memory_space<hbm>>
      %dma_wait3A_98 = arith.constant 0 : i32
      %dma_wait3A_99 = arith.constant 0 : i32
      %dma_wait3A_100 = tpu.memref_slice %dma_wait3A_97[%dma_wait3A_98, %dma_wait3A_99] : memref<10240x128xf32, #tpu.memory_space<hbm>> -> memref<10240x128xf32, #tpu.memory_space<hbm>>
      tpu.wait_indirect_dma semaphore(%arg15 : memref<!tpu.dma_semaphore, #tpu.memory_space<semaphore_mem>>) src(%dma_wait3A_100 : memref<10240x128xf32, #tpu.memory_space<hbm>>) dst(%arg13 : memref<128x128xf32, #tpu.memory_space<vmem>>)
      %dma_wait3A_101 = arith.constant 0 : i32
      %dma_wait3A_102 = tpu.memref_slice %arg3[%dma_wait3A_101] : memref<327936xi32, #tpu.memory_space<hbm>> -> memref<128xi32, #tpu.memory_space<hbm>>
      %dma_wait3A_103 = arith.constant 0 : i32
      %dma_wait3A_104 = tpu.memref_slice %arg3[%dma_wait3A_103] : memref<327936xi32, #tpu.memory_space<hbm>> -> memref<128xi32, #tpu.memory_space<hbm>>
      tpu.wait_dma2 semaphore(%arg18 : memref<!tpu.dma_semaphore, #tpu.memory_space<semaphore_mem>>) src(%dma_wait3A_104 : memref<128xi32, #tpu.memory_space<hbm>>) dst(%arg10 : memref<128xi32, #tpu.memory_space<vmem>>)
      %dma_wait3A_105 = arith.constant 0 : i32
      %dma_wait3A_106 = tpu.memref_slice %arg2[%dma_wait3A_105] : memref<327936xi32, #tpu.memory_space<hbm>> -> memref<128xi32, #tpu.memory_space<hbm>>
      %dma_wait3A_107 = arith.constant 0 : i32
      %dma_wait3A_108 = tpu.memref_slice %arg2[%dma_wait3A_107] : memref<327936xi32, #tpu.memory_space<hbm>> -> memref<128xi32, #tpu.memory_space<hbm>>
      tpu.wait_dma2 semaphore(%arg20 : memref<!tpu.dma_semaphore, #tpu.memory_space<semaphore_mem>>) src(%dma_wait3A_108 : memref<128xi32, #tpu.memory_space<hbm>>) dst(%arg12 : memref<128xi32, #tpu.memory_space<vmem>>)
      %dma_start3A_109 = arith.constant 0 : i32
      %dma_start3A_110 = arith.constant 0 : i32
      %dma_start3A_111 = tpu.memref_slice %arg7[%arg0, %dma_start3A_109, %dma_start3A_110] : memref<2x10240x128xf32, #tpu.memory_space<hbm>> -> memref<1x10240x128xf32, #tpu.memory_space<hbm>>
      %dma_start3A_112 = tpu.memref_squeeze %dma_start3A_111 : memref<1x10240x128xf32, #tpu.memory_space<hbm>> -> memref<10240x128xf32, #tpu.memory_space<hbm>>
      %dma_start3A_113 = arith.constant 0 : i32
      %dma_start3A_114 = arith.constant 0 : i32
      %dma_start3A_115 = tpu.memref_slice %dma_start3A_112[%dma_start3A_113, %dma_start3A_114] : memref<10240x128xf32, #tpu.memory_space<hbm>> -> memref<10240x128xf32, #tpu.memory_space<hbm>>
      tpu.enqueue_indirect_dma source(%dma_start3A_115 : memref<10240x128xf32, #tpu.memory_space<hbm>>) target(%arg14 : memref<128x128xf32, #tpu.memory_space<vmem>>) offsets(%arg10 : memref<128xi32, #tpu.memory_space<vmem>>) semaphore(%arg16 : memref<!tpu.dma_semaphore, #tpu.memory_space<semaphore_mem>>)
      "tpu.region"() ({
        %run_scoped3A = tpu.sem_alloc : memref<!tpu.dma_semaphore, #tpu.memory_space<semaphore_mem>>
        %dma_start3A_160 = arith.constant 0 : i32
        %dma_start3A_161 = arith.constant 0 : i32
        %dma_start3A_162 = tpu.memref_slice %arg8[%dma_start3A_160, %dma_start3A_161] : memref<10240x128xf32, #tpu.memory_space<vmem_shared>> -> memref<10240x128xf32, #tpu.memory_space<vmem_shared>>
        tpu.enqueue_indirect_dma source(%arg13 : memref<128x128xf32, #tpu.memory_space<vmem>>) target(%dma_start3A_162 : memref<10240x128xf32, #tpu.memory_space<vmem_shared>>) offsets(%arg11 : memref<128xi32, #tpu.memory_space<vmem>>) semaphore(%run_scoped3A : memref<!tpu.dma_semaphore, #tpu.memory_space<semaphore_mem>>) {add = true}
        %dma_wait3A_163 = arith.constant 0 : i32
        %dma_wait3A_164 = arith.constant 0 : i32
        %dma_wait3A_165 = tpu.memref_slice %arg8[%dma_wait3A_163, %dma_wait3A_164] : memref<10240x128xf32, #tpu.memory_space<vmem_shared>> -> memref<10240x128xf32, #tpu.memory_space<vmem_shared>>
        tpu.wait_indirect_dma semaphore(%run_scoped3A : memref<!tpu.dma_semaphore, #tpu.memory_space<semaphore_mem>>) src(%arg13 : memref<128x128xf32, #tpu.memory_space<vmem>>) dst(%dma_wait3A_165 : memref<10240x128xf32, #tpu.memory_space<vmem_shared>>)
        tpu.yield
      }) : () -> ()
      %add3A_116 = arith.constant 2 : i32
      %add3A_117 = arith.addi %add3A_93, %add3A_116 : i32
      %mul3A_118 = arith.constant 128 : i32
      %mul3A_119 = arith.muli %add3A_117, %mul3A_118 : i32
      %add3A_120 = arith.addi %select_n3A, %mul3A_119 : i32
      %dma_start3A_121 = tpu.memref_slice %arg3[%add3A_120] : memref<327936xi32, #tpu.memory_space<hbm>> -> memref<128xi32, #tpu.memory_space<hbm>>
      %dma_start3A_122 = tpu.memref_slice %arg3[%add3A_120] : memref<327936xi32, #tpu.memory_space<hbm>> -> memref<128xi32, #tpu.memory_space<hbm>>
      tpu.enqueue_dma source(%dma_start3A_122 : memref<128xi32, #tpu.memory_space<hbm>>) target(%arg9 : memref<128xi32, #tpu.memory_space<vmem>>) target_semaphore(%arg17 : memref<!tpu.dma_semaphore, #tpu.memory_space<semaphore_mem>>)
      %dma_start3A_123 = tpu.memref_slice %arg2[%add3A_120] : memref<327936xi32, #tpu.memory_space<hbm>> -> memref<128xi32, #tpu.memory_space<hbm>>
      %dma_start3A_124 = tpu.memref_slice %arg2[%add3A_120] : memref<327936xi32, #tpu.memory_space<hbm>> -> memref<128xi32, #tpu.memory_space<hbm>>
      tpu.enqueue_dma source(%dma_start3A_124 : memref<128xi32, #tpu.memory_space<hbm>>) target(%arg11 : memref<128xi32, #tpu.memory_space<vmem>>) target_semaphore(%arg19 : memref<!tpu.dma_semaphore, #tpu.memory_space<semaphore_mem>>)
      %mul3A_125 = arith.constant 2 : i32
      %mul3A_126 = arith.muli %mul3A_125, %while3A_89 : i32
      %add3A_127 = arith.constant 1 : i32
      %add3A_128 = arith.addi %mul3A_126, %add3A_127 : i32
      %dma_wait3A_129 = arith.constant 0 : i32
      %dma_wait3A_130 = arith.constant 0 : i32
      %dma_wait3A_131 = tpu.memref_slice %arg7[%arg0, %dma_wait3A_129, %dma_wait3A_130] : memref<2x10240x128xf32, #tpu.memory_space<hbm>> -> memref<1x10240x128xf32, #tpu.memory_space<hbm>>
      %dma_wait3A_132 = tpu.memref_squeeze %dma_wait3A_131 : memref<1x10240x128xf32, #tpu.memory_space<hbm>> -> memref<10240x128xf32, #tpu.memory_space<hbm>>
      %dma_wait3A_133 = arith.constant 0 : i32
      %dma_wait3A_134 = arith.constant 0 : i32
      %dma_wait3A_135 = tpu.memref_slice %dma_wait3A_132[%dma_wait3A_133, %dma_wait3A_134] : memref<10240x128xf32, #tpu.memory_space<hbm>> -> memref<10240x128xf32, #tpu.memory_space<hbm>>
      tpu.wait_indirect_dma semaphore(%arg16 : memref<!tpu.dma_semaphore, #tpu.memory_space<semaphore_mem>>) src(%dma_wait3A_135 : memref<10240x128xf32, #tpu.memory_space<hbm>>) dst(%arg14 : memref<128x128xf32, #tpu.memory_space<vmem>>)
      %dma_wait3A_136 = arith.constant 0 : i32
      %dma_wait3A_137 = tpu.memref_slice %arg3[%dma_wait3A_136] : memref<327936xi32, #tpu.memory_space<hbm>> -> memref<128xi32, #tpu.memory_space<hbm>>
      %dma_wait3A_138 = arith.constant 0 : i32
      %dma_wait3A_139 = tpu.memref_slice %arg3[%dma_wait3A_138] : memref<327936xi32, #tpu.memory_space<hbm>> -> memref<128xi32, #tpu.memory_space<hbm>>
      tpu.wait_dma2 semaphore(%arg17 : memref<!tpu.dma_semaphore, #tpu.memory_space<semaphore_mem>>) src(%dma_wait3A_139 : memref<128xi32, #tpu.memory_space<hbm>>) dst(%arg9 : memref<128xi32, #tpu.memory_space<vmem>>)
      %dma_wait3A_140 = arith.constant 0 : i32
      %dma_wait3A_141 = tpu.memref_slice %arg2[%dma_wait3A_140] : memref<327936xi32, #tpu.memory_space<hbm>> -> memref<128xi32, #tpu.memory_space<hbm>>
      %dma_wait3A_142 = arith.constant 0 : i32
      %dma_wait3A_143 = tpu.memref_slice %arg2[%dma_wait3A_142] : memref<327936xi32, #tpu.memory_space<hbm>> -> memref<128xi32, #tpu.memory_space<hbm>>
      tpu.wait_dma2 semaphore(%arg19 : memref<!tpu.dma_semaphore, #tpu.memory_space<semaphore_mem>>) src(%dma_wait3A_143 : memref<128xi32, #tpu.memory_space<hbm>>) dst(%arg11 : memref<128xi32, #tpu.memory_space<vmem>>)
      %dma_start3A_144 = arith.constant 0 : i32
      %dma_start3A_145 = arith.constant 0 : i32
      %dma_start3A_146 = tpu.memref_slice %arg7[%arg0, %dma_start3A_144, %dma_start3A_145] : memref<2x10240x128xf32, #tpu.memory_space<hbm>> -> memref<1x10240x128xf32, #tpu.memory_space<hbm>>
      %dma_start3A_147 = tpu.memref_squeeze %dma_start3A_146 : memref<1x10240x128xf32, #tpu.memory_space<hbm>> -> memref<10240x128xf32, #tpu.memory_space<hbm>>
      %dma_start3A_148 = arith.constant 0 : i32
      %dma_start3A_149 = arith.constant 0 : i32
      %dma_start3A_150 = tpu.memref_slice %dma_start3A_147[%dma_start3A_148, %dma_start3A_149] : memref<10240x128xf32, #tpu.memory_space<hbm>> -> memref<10240x128xf32, #tpu.memory_space<hbm>>
      tpu.enqueue_indirect_dma source(%dma_start3A_150 : memref<10240x128xf32, #tpu.memory_space<hbm>>) target(%arg13 : memref<128x128xf32, #tpu.memory_space<vmem>>) offsets(%arg9 : memref<128xi32, #tpu.memory_space<vmem>>) semaphore(%arg15 : memref<!tpu.dma_semaphore, #tpu.memory_space<semaphore_mem>>)
      "tpu.region"() ({
        %run_scoped3A = tpu.sem_alloc : memref<!tpu.dma_semaphore, #tpu.memory_space<semaphore_mem>>
        %dma_start3A_160 = arith.constant 0 : i32
        %dma_start3A_161 = arith.constant 0 : i32
        %dma_start3A_162 = tpu.memref_slice %arg8[%dma_start3A_160, %dma_start3A_161] : memref<10240x128xf32, #tpu.memory_space<vmem_shared>> -> memref<10240x128xf32, #tpu.memory_space<vmem_shared>>
        tpu.enqueue_indirect_dma source(%arg14 : memref<128x128xf32, #tpu.memory_space<vmem>>) target(%dma_start3A_162 : memref<10240x128xf32, #tpu.memory_space<vmem_shared>>) offsets(%arg12 : memref<128xi32, #tpu.memory_space<vmem>>) semaphore(%run_scoped3A : memref<!tpu.dma_semaphore, #tpu.memory_space<semaphore_mem>>) {add = true}
        %dma_wait3A_163 = arith.constant 0 : i32
        %dma_wait3A_164 = arith.constant 0 : i32
        %dma_wait3A_165 = tpu.memref_slice %arg8[%dma_wait3A_163, %dma_wait3A_164] : memref<10240x128xf32, #tpu.memory_space<vmem_shared>> -> memref<10240x128xf32, #tpu.memory_space<vmem_shared>>
        tpu.wait_indirect_dma semaphore(%run_scoped3A : memref<!tpu.dma_semaphore, #tpu.memory_space<semaphore_mem>>) src(%arg14 : memref<128x128xf32, #tpu.memory_space<vmem>>) dst(%dma_wait3A_165 : memref<10240x128xf32, #tpu.memory_space<vmem_shared>>)
        tpu.yield
      }) : () -> ()
      %add3A_151 = arith.constant 2 : i32
      %add3A_152 = arith.addi %add3A_128, %add3A_151 : i32
      %mul3A_153 = arith.constant 128 : i32
      %mul3A_154 = arith.muli %add3A_152, %mul3A_153 : i32
      %add3A_155 = arith.addi %select_n3A, %mul3A_154 : i32
      %dma_start3A_156 = tpu.memref_slice %arg3[%add3A_155] : memref<327936xi32, #tpu.memory_space<hbm>> -> memref<128xi32, #tpu.memory_space<hbm>>
      %dma_start3A_157 = tpu.memref_slice %arg3[%add3A_155] : memref<327936xi32, #tpu.memory_space<hbm>> -> memref<128xi32, #tpu.memory_space<hbm>>
      tpu.enqueue_dma source(%dma_start3A_157 : memref<128xi32, #tpu.memory_space<hbm>>) target(%arg10 : memref<128xi32, #tpu.memory_space<vmem>>) target_semaphore(%arg18 : memref<!tpu.dma_semaphore, #tpu.memory_space<semaphore_mem>>)
      %dma_start3A_158 = tpu.memref_slice %arg2[%add3A_155] : memref<327936xi32, #tpu.memory_space<hbm>> -> memref<128xi32, #tpu.memory_space<hbm>>
      %dma_start3A_159 = tpu.memref_slice %arg2[%add3A_155] : memref<327936xi32, #tpu.memory_space<hbm>> -> memref<128xi32, #tpu.memory_space<hbm>>
      tpu.enqueue_dma source(%dma_start3A_159 : memref<128xi32, #tpu.memory_space<hbm>>) target(%arg12 : memref<128xi32, #tpu.memory_space<vmem>>) target_semaphore(%arg20 : memref<!tpu.dma_semaphore, #tpu.memory_space<semaphore_mem>>)
    }
    %while3A_72 = arith.constant 1 : i32
    scf.for %while3A_89 = %while3A_70 to %while3A_66 step %while3A_72  : i32 {
      %mul3A_90 = arith.constant 2 : i32
      %mul3A_91 = arith.muli %mul3A_90, %while3A_89 : i32
      %add3A_92 = arith.constant 0 : i32
      %add3A_93 = arith.addi %mul3A_91, %add3A_92 : i32
      %dma_wait3A_94 = arith.constant 0 : i32
      %dma_wait3A_95 = arith.constant 0 : i32
      %dma_wait3A_96 = tpu.memref_slice %arg7[%arg0, %dma_wait3A_94, %dma_wait3A_95] : memref<2x10240x128xf32, #tpu.memory_space<hbm>> -> memref<1x10240x128xf32, #tpu.memory_space<hbm>>
      %dma_wait3A_97 = tpu.memref_squeeze %dma_wait3A_96 : memref<1x10240x128xf32, #tpu.memory_space<hbm>> -> memref<10240x128xf32, #tpu.memory_space<hbm>>
      %dma_wait3A_98 = arith.constant 0 : i32
      %dma_wait3A_99 = arith.constant 0 : i32
      %dma_wait3A_100 = tpu.memref_slice %dma_wait3A_97[%dma_wait3A_98, %dma_wait3A_99] : memref<10240x128xf32, #tpu.memory_space<hbm>> -> memref<10240x128xf32, #tpu.memory_space<hbm>>
      tpu.wait_indirect_dma semaphore(%arg15 : memref<!tpu.dma_semaphore, #tpu.memory_space<semaphore_mem>>) src(%dma_wait3A_100 : memref<10240x128xf32, #tpu.memory_space<hbm>>) dst(%arg13 : memref<128x128xf32, #tpu.memory_space<vmem>>)
      %dma_wait3A_101 = arith.constant 0 : i32
      %dma_wait3A_102 = tpu.memref_slice %arg3[%dma_wait3A_101] : memref<327936xi32, #tpu.memory_space<hbm>> -> memref<128xi32, #tpu.memory_space<hbm>>
      %dma_wait3A_103 = arith.constant 0 : i32
      %dma_wait3A_104 = tpu.memref_slice %arg3[%dma_wait3A_103] : memref<327936xi32, #tpu.memory_space<hbm>> -> memref<128xi32, #tpu.memory_space<hbm>>
      tpu.wait_dma2 semaphore(%arg18 : memref<!tpu.dma_semaphore, #tpu.memory_space<semaphore_mem>>) src(%dma_wait3A_104 : memref<128xi32, #tpu.memory_space<hbm>>) dst(%arg10 : memref<128xi32, #tpu.memory_space<vmem>>)
      %dma_wait3A_105 = arith.constant 0 : i32
      %dma_wait3A_106 = tpu.memref_slice %arg2[%dma_wait3A_105] : memref<327936xi32, #tpu.memory_space<hbm>> -> memref<128xi32, #tpu.memory_space<hbm>>
      %dma_wait3A_107 = arith.constant 0 : i32
      %dma_wait3A_108 = tpu.memref_slice %arg2[%dma_wait3A_107] : memref<327936xi32, #tpu.memory_space<hbm>> -> memref<128xi32, #tpu.memory_space<hbm>>
      tpu.wait_dma2 semaphore(%arg20 : memref<!tpu.dma_semaphore, #tpu.memory_space<semaphore_mem>>) src(%dma_wait3A_108 : memref<128xi32, #tpu.memory_space<hbm>>) dst(%arg12 : memref<128xi32, #tpu.memory_space<vmem>>)
      %dma_start3A_109 = arith.constant 0 : i32
      %dma_start3A_110 = arith.constant 0 : i32
      %dma_start3A_111 = tpu.memref_slice %arg7[%arg0, %dma_start3A_109, %dma_start3A_110] : memref<2x10240x128xf32, #tpu.memory_space<hbm>> -> memref<1x10240x128xf32, #tpu.memory_space<hbm>>
      %dma_start3A_112 = tpu.memref_squeeze %dma_start3A_111 : memref<1x10240x128xf32, #tpu.memory_space<hbm>> -> memref<10240x128xf32, #tpu.memory_space<hbm>>
      %dma_start3A_113 = arith.constant 0 : i32
      %dma_start3A_114 = arith.constant 0 : i32
      %dma_start3A_115 = tpu.memref_slice %dma_start3A_112[%dma_start3A_113, %dma_start3A_114] : memref<10240x128xf32, #tpu.memory_space<hbm>> -> memref<10240x128xf32, #tpu.memory_space<hbm>>
      tpu.enqueue_indirect_dma source(%dma_start3A_115 : memref<10240x128xf32, #tpu.memory_space<hbm>>) target(%arg14 : memref<128x128xf32, #tpu.memory_space<vmem>>) offsets(%arg10 : memref<128xi32, #tpu.memory_space<vmem>>) semaphore(%arg16 : memref<!tpu.dma_semaphore, #tpu.memory_space<semaphore_mem>>)
      "tpu.region"() ({
        %run_scoped3A = tpu.sem_alloc : memref<!tpu.dma_semaphore, #tpu.memory_space<semaphore_mem>>
        %dma_start3A_160 = arith.constant 0 : i32
        %dma_start3A_161 = arith.constant 0 : i32
        %dma_start3A_162 = tpu.memref_slice %arg8[%dma_start3A_160, %dma_start3A_161] : memref<10240x128xf32, #tpu.memory_space<vmem_shared>> -> memref<10240x128xf32, #tpu.memory_space<vmem_shared>>
        tpu.enqueue_indirect_dma source(%arg13 : memref<128x128xf32, #tpu.memory_space<vmem>>) target(%dma_start3A_162 : memref<10240x128xf32, #tpu.memory_space<vmem_shared>>) offsets(%arg11 : memref<128xi32, #tpu.memory_space<vmem>>) semaphore(%run_scoped3A : memref<!tpu.dma_semaphore, #tpu.memory_space<semaphore_mem>>) {add = true}
        %dma_wait3A_163 = arith.constant 0 : i32
        %dma_wait3A_164 = arith.constant 0 : i32
        %dma_wait3A_165 = tpu.memref_slice %arg8[%dma_wait3A_163, %dma_wait3A_164] : memref<10240x128xf32, #tpu.memory_space<vmem_shared>> -> memref<10240x128xf32, #tpu.memory_space<vmem_shared>>
        tpu.wait_indirect_dma semaphore(%run_scoped3A : memref<!tpu.dma_semaphore, #tpu.memory_space<semaphore_mem>>) src(%arg13 : memref<128x128xf32, #tpu.memory_space<vmem>>) dst(%dma_wait3A_165 : memref<10240x128xf32, #tpu.memory_space<vmem_shared>>)
        tpu.yield
      }) : () -> ()
      %add3A_116 = arith.constant 2 : i32
      %add3A_117 = arith.addi %add3A_93, %add3A_116 : i32
      %mul3A_118 = arith.constant 128 : i32
      %mul3A_119 = arith.muli %add3A_117, %mul3A_118 : i32
      %add3A_120 = arith.addi %select_n3A, %mul3A_119 : i32
      %dma_start3A_121 = tpu.memref_slice %arg3[%add3A_120] : memref<327936xi32, #tpu.memory_space<hbm>> -> memref<128xi32, #tpu.memory_space<hbm>>
      %dma_start3A_122 = tpu.memref_slice %arg3[%add3A_120] : memref<327936xi32, #tpu.memory_space<hbm>> -> memref<128xi32, #tpu.memory_space<hbm>>
      tpu.enqueue_dma source(%dma_start3A_122 : memref<128xi32, #tpu.memory_space<hbm>>) target(%arg9 : memref<128xi32, #tpu.memory_space<vmem>>) target_semaphore(%arg17 : memref<!tpu.dma_semaphore, #tpu.memory_space<semaphore_mem>>)
      %dma_start3A_123 = tpu.memref_slice %arg2[%add3A_120] : memref<327936xi32, #tpu.memory_space<hbm>> -> memref<128xi32, #tpu.memory_space<hbm>>
      %dma_start3A_124 = tpu.memref_slice %arg2[%add3A_120] : memref<327936xi32, #tpu.memory_space<hbm>> -> memref<128xi32, #tpu.memory_space<hbm>>
      tpu.enqueue_dma source(%dma_start3A_124 : memref<128xi32, #tpu.memory_space<hbm>>) target(%arg11 : memref<128xi32, #tpu.memory_space<vmem>>) target_semaphore(%arg19 : memref<!tpu.dma_semaphore, #tpu.memory_space<semaphore_mem>>)
      %mul3A_125 = arith.constant 2 : i32
      %mul3A_126 = arith.muli %mul3A_125, %while3A_89 : i32
      %add3A_127 = arith.constant 1 : i32
      %add3A_128 = arith.addi %mul3A_126, %add3A_127 : i32
      %dma_wait3A_129 = arith.constant 0 : i32
      %dma_wait3A_130 = arith.constant 0 : i32
      %dma_wait3A_131 = tpu.memref_slice %arg7[%arg0, %dma_wait3A_129, %dma_wait3A_130] : memref<2x10240x128xf32, #tpu.memory_space<hbm>> -> memref<1x10240x128xf32, #tpu.memory_space<hbm>>
      %dma_wait3A_132 = tpu.memref_squeeze %dma_wait3A_131 : memref<1x10240x128xf32, #tpu.memory_space<hbm>> -> memref<10240x128xf32, #tpu.memory_space<hbm>>
      %dma_wait3A_133 = arith.constant 0 : i32
      %dma_wait3A_134 = arith.constant 0 : i32
      %dma_wait3A_135 = tpu.memref_slice %dma_wait3A_132[%dma_wait3A_133, %dma_wait3A_134] : memref<10240x128xf32, #tpu.memory_space<hbm>> -> memref<10240x128xf32, #tpu.memory_space<hbm>>
      tpu.wait_indirect_dma semaphore(%arg16 : memref<!tpu.dma_semaphore, #tpu.memory_space<semaphore_mem>>) src(%dma_wait3A_135 : memref<10240x128xf32, #tpu.memory_space<hbm>>) dst(%arg14 : memref<128x128xf32, #tpu.memory_space<vmem>>)
      %dma_wait3A_136 = arith.constant 0 : i32
      %dma_wait3A_137 = tpu.memref_slice %arg3[%dma_wait3A_136] : memref<327936xi32, #tpu.memory_space<hbm>> -> memref<128xi32, #tpu.memory_space<hbm>>
      %dma_wait3A_138 = arith.constant 0 : i32
      %dma_wait3A_139 = tpu.memref_slice %arg3[%dma_wait3A_138] : memref<327936xi32, #tpu.memory_space<hbm>> -> memref<128xi32, #tpu.memory_space<hbm>>
      tpu.wait_dma2 semaphore(%arg17 : memref<!tpu.dma_semaphore, #tpu.memory_space<semaphore_mem>>) src(%dma_wait3A_139 : memref<128xi32, #tpu.memory_space<hbm>>) dst(%arg9 : memref<128xi32, #tpu.memory_space<vmem>>)
      %dma_wait3A_140 = arith.constant 0 : i32
      %dma_wait3A_141 = tpu.memref_slice %arg2[%dma_wait3A_140] : memref<327936xi32, #tpu.memory_space<hbm>> -> memref<128xi32, #tpu.memory_space<hbm>>
      %dma_wait3A_142 = arith.constant 0 : i32
      %dma_wait3A_143 = tpu.memref_slice %arg2[%dma_wait3A_142] : memref<327936xi32, #tpu.memory_space<hbm>> -> memref<128xi32, #tpu.memory_space<hbm>>
      tpu.wait_dma2 semaphore(%arg19 : memref<!tpu.dma_semaphore, #tpu.memory_space<semaphore_mem>>) src(%dma_wait3A_143 : memref<128xi32, #tpu.memory_space<hbm>>) dst(%arg11 : memref<128xi32, #tpu.memory_space<vmem>>)
      %dma_start3A_144 = arith.constant 0 : i32
      %dma_start3A_145 = arith.constant 0 : i32
      %dma_start3A_146 = tpu.memref_slice %arg7[%arg0, %dma_start3A_144, %dma_start3A_145] : memref<2x10240x128xf32, #tpu.memory_space<hbm>> -> memref<1x10240x128xf32, #tpu.memory_space<hbm>>
      %dma_start3A_147 = tpu.memref_squeeze %dma_start3A_146 : memref<1x10240x128xf32, #tpu.memory_space<hbm>> -> memref<10240x128xf32, #tpu.memory_space<hbm>>
      %dma_start3A_148 = arith.constant 0 : i32
      %dma_start3A_149 = arith.constant 0 : i32
      %dma_start3A_150 = tpu.memref_slice %dma_start3A_147[%dma_start3A_148, %dma_start3A_149] : memref<10240x128xf32, #tpu.memory_space<hbm>> -> memref<10240x128xf32, #tpu.memory_space<hbm>>
      tpu.enqueue_indirect_dma source(%dma_start3A_150 : memref<10240x128xf32, #tpu.memory_space<hbm>>) target(%arg13 : memref<128x128xf32, #tpu.memory_space<vmem>>) offsets(%arg9 : memref<128xi32, #tpu.memory_space<vmem>>) semaphore(%arg15 : memref<!tpu.dma_semaphore, #tpu.memory_space<semaphore_mem>>)
      "tpu.region"() ({
        %run_scoped3A = tpu.sem_alloc : memref<!tpu.dma_semaphore, #tpu.memory_space<semaphore_mem>>
        %dma_start3A_160 = arith.constant 0 : i32
        %dma_start3A_161 = arith.constant 0 : i32
        %dma_start3A_162 = tpu.memref_slice %arg8[%dma_start3A_160, %dma_start3A_161] : memref<10240x128xf32, #tpu.memory_space<vmem_shared>> -> memref<10240x128xf32, #tpu.memory_space<vmem_shared>>
        tpu.enqueue_indirect_dma source(%arg14 : memref<128x128xf32, #tpu.memory_space<vmem>>) target(%dma_start3A_162 : memref<10240x128xf32, #tpu.memory_space<vmem_shared>>) offsets(%arg12 : memref<128xi32, #tpu.memory_space<vmem>>) semaphore(%run_scoped3A : memref<!tpu.dma_semaphore, #tpu.memory_space<semaphore_mem>>) {add = true}
        %dma_wait3A_163 = arith.constant 0 : i32
        %dma_wait3A_164 = arith.constant 0 : i32
        %dma_wait3A_165 = tpu.memref_slice %arg8[%dma_wait3A_163, %dma_wait3A_164] : memref<10240x128xf32, #tpu.memory_space<vmem_shared>> -> memref<10240x128xf32, #tpu.memory_space<vmem_shared>>
        tpu.wait_indirect_dma semaphore(%run_scoped3A : memref<!tpu.dma_semaphore, #tpu.memory_space<semaphore_mem>>) src(%arg14 : memref<128x128xf32, #tpu.memory_space<vmem>>) dst(%dma_wait3A_165 : memref<10240x128xf32, #tpu.memory_space<vmem_shared>>)
        tpu.yield
      }) : () -> ()
      %add3A_151 = arith.constant 2 : i32
      %add3A_152 = arith.addi %add3A_128, %add3A_151 : i32
      %mul3A_153 = arith.constant 128 : i32
      %mul3A_154 = arith.muli %add3A_152, %mul3A_153 : i32
      %add3A_155 = arith.addi %select_n3A, %mul3A_154 : i32
      %dma_start3A_156 = tpu.memref_slice %arg3[%add3A_155] : memref<327936xi32, #tpu.memory_space<hbm>> -> memref<128xi32, #tpu.memory_space<hbm>>
      %dma_start3A_157 = tpu.memref_slice %arg3[%add3A_155] : memref<327936xi32, #tpu.memory_space<hbm>> -> memref<128xi32, #tpu.memory_space<hbm>>
      tpu.enqueue_dma source(%dma_start3A_157 : memref<128xi32, #tpu.memory_space<hbm>>) target(%arg10 : memref<128xi32, #tpu.memory_space<vmem>>) target_semaphore(%arg18 : memref<!tpu.dma_semaphore, #tpu.memory_space<semaphore_mem>>)
      %dma_start3A_158 = tpu.memref_slice %arg2[%add3A_155] : memref<327936xi32, #tpu.memory_space<hbm>> -> memref<128xi32, #tpu.memory_space<hbm>>
      %dma_start3A_159 = tpu.memref_slice %arg2[%add3A_155] : memref<327936xi32, #tpu.memory_space<hbm>> -> memref<128xi32, #tpu.memory_space<hbm>>
      tpu.enqueue_dma source(%dma_start3A_159 : memref<128xi32, #tpu.memory_space<hbm>>) target(%arg12 : memref<128xi32, #tpu.memory_space<vmem>>) target_semaphore(%arg20 : memref<!tpu.dma_semaphore, #tpu.memory_space<semaphore_mem>>)
    }
    %dma_wait3A_73 = arith.constant 0 : i32
    %dma_wait3A_74 = arith.constant 0 : i32
    %dma_wait3A_75 = tpu.memref_slice %arg7[%arg0, %dma_wait3A_73, %dma_wait3A_74] : memref<2x10240x128xf32, #tpu.memory_space<hbm>> -> memref<1x10240x128xf32, #tpu.memory_space<hbm>>
    %dma_wait3A_76 = tpu.memref_squeeze %dma_wait3A_75 : memref<1x10240x128xf32, #tpu.memory_space<hbm>> -> memref<10240x128xf32, #tpu.memory_space<hbm>>
    %dma_wait3A_77 = arith.constant 0 : i32
    %dma_wait3A_78 = arith.constant 0 : i32
    %dma_wait3A_79 = tpu.memref_slice %dma_wait3A_76[%dma_wait3A_77, %dma_wait3A_78] : memref<10240x128xf32, #tpu.memory_space<hbm>> -> memref<10240x128xf32, #tpu.memory_space<hbm>>
    tpu.wait_indirect_dma semaphore(%arg15 : memref<!tpu.dma_semaphore, #tpu.memory_space<semaphore_mem>>) src(%dma_wait3A_79 : memref<10240x128xf32, #tpu.memory_space<hbm>>) dst(%arg13 : memref<128x128xf32, #tpu.memory_space<vmem>>)
    %dma_wait3A_80 = arith.constant 0 : i32
    %dma_wait3A_81 = tpu.memref_slice %arg3[%dma_wait3A_80] : memref<327936xi32, #tpu.memory_space<hbm>> -> memref<128xi32, #tpu.memory_space<hbm>>
    %dma_wait3A_82 = arith.constant 0 : i32
    %dma_wait3A_83 = tpu.memref_slice %arg3[%dma_wait3A_82] : memref<327936xi32, #tpu.memory_space<hbm>> -> memref<128xi32, #tpu.memory_space<hbm>>
    tpu.wait_dma2 semaphore(%arg18 : memref<!tpu.dma_semaphore, #tpu.memory_space<semaphore_mem>>) src(%dma_wait3A_83 : memref<128xi32, #tpu.memory_space<hbm>>) dst(%arg10 : memref<128xi32, #tpu.memory_space<vmem>>)
    %dma_wait3A_84 = arith.constant 0 : i32
    %dma_wait3A_85 = tpu.memref_slice %arg2[%dma_wait3A_84] : memref<327936xi32, #tpu.memory_space<hbm>> -> memref<128xi32, #tpu.memory_space<hbm>>
    %dma_wait3A_86 = arith.constant 0 : i32
    %dma_wait3A_87 = tpu.memref_slice %arg2[%dma_wait3A_86] : memref<327936xi32, #tpu.memory_space<hbm>> -> memref<128xi32, #tpu.memory_space<hbm>>
    tpu.wait_dma2 semaphore(%arg20 : memref<!tpu.dma_semaphore, #tpu.memory_space<semaphore_mem>>) src(%dma_wait3A_87 : memref<128xi32, #tpu.memory_space<hbm>>) dst(%arg12 : memref<128xi32, #tpu.memory_space<vmem>>)
    %barrier3A_88 = arith.constant 0 : index
    tpu.barrier barrier_id(%barrier3A_88)
    "tpu.region"() ({
      %run_scoped3A = tpu.sem_alloc : memref<!tpu.dma_semaphore, #tpu.memory_space<semaphore_mem>>
      %dma_start3A_89 = arith.constant 0 : i32
      %dma_start3A_90 = tpu.memref_slice %arg6[%arg0, %mul3A_0, %dma_start3A_89] : memref<2x10240x128xf32, #tpu.memory_space<hbm>> -> memref<1x640x128xf32, #tpu.memory_space<hbm>>
      %dma_start3A_91 = tpu.memref_squeeze %dma_start3A_90 : memref<1x640x128xf32, #tpu.memory_space<hbm>> -> memref<640x128xf32, #tpu.memory_space<hbm>>
      %dma_start3A_92 = arith.constant 0 : i32
      %dma_start3A_93 = tpu.memref_slice %arg8[%mul3A_0, %dma_start3A_92] : memref<10240x128xf32, #tpu.memory_space<vmem_shared>> -> memref<640x128xf32, #tpu.memory_space<vmem_shared>>
      tpu.enqueue_dma source(%dma_start3A_93 : memref<640x128xf32, #tpu.memory_space<vmem_shared>>) target(%dma_start3A_91 : memref<640x128xf32, #tpu.memory_space<hbm>>) target_semaphore(%run_scoped3A : memref<!tpu.dma_semaphore, #tpu.memory_space<semaphore_mem>>)
      %dma_wait3A_94 = arith.constant 0 : i32
      %dma_wait3A_95 = tpu.memref_slice %arg6[%arg0, %mul3A_0, %dma_wait3A_94] : memref<2x10240x128xf32, #tpu.memory_space<hbm>> -> memref<1x640x128xf32, #tpu.memory_space<hbm>>
      %dma_wait3A_96 = tpu.memref_squeeze %dma_wait3A_95 : memref<1x640x128xf32, #tpu.memory_space<hbm>> -> memref<640x128xf32, #tpu.memory_space<hbm>>
      %dma_wait3A_97 = arith.constant 0 : i32
      %dma_wait3A_98 = tpu.memref_slice %arg8[%mul3A_0, %dma_wait3A_97] : memref<10240x128xf32, #tpu.memory_space<vmem_shared>> -> memref<640x128xf32, #tpu.memory_space<vmem_shared>>
      tpu.wait_dma2 semaphore(%run_scoped3A : memref<!tpu.dma_semaphore, #tpu.memory_space<semaphore_mem>>) src(%dma_wait3A_98 : memref<640x128xf32, #tpu.memory_space<vmem_shared>>) dst(%dma_wait3A_96 : memref<640x128xf32, #tpu.memory_space<hbm>>)
      tpu.yield
    }) : () -> ()
    return
  }
}

#map = affine_map<(d0, d1) -> (0)>
#map1 = affine_map<(d0, d1) -> (0, 0)>
#map2 = affine_map<(d0, d1) -> (0, 0, 0)>
module attributes {stable_mosaic.version = 14 : i64} {
  func.func @_edge_deg(%arg0: i32, %arg1: i32, %arg2: memref<327936xi32, #tpu.memory_space<hbm>>, %arg3: memref<10240x128xf32, #tpu.memory_space<hbm>>, %arg4: memref<2x10240x128xf32, #tpu.memory_space<hbm>>, %arg5: memref<10240x128xf32, #tpu.memory_space<vmem_shared>>, %arg6: memref<128xi32, #tpu.memory_space<vmem>>, %arg7: memref<128xi32, #tpu.memory_space<vmem>>, %arg8: memref<128x128xf32, #tpu.memory_space<vmem>>, %arg9: memref<!tpu.dma_semaphore, #tpu.memory_space<semaphore_mem>>, %arg10: memref<!tpu.dma_semaphore, #tpu.memory_space<semaphore_mem>>) attributes {dimension_semantics = [#tpu.dimension_semantics<core_parallel>, #tpu.dimension_semantics<subcore_parallel>], iteration_bounds = array<i64: 2, 16>, scalar_prefetch = 0 : i64, scratch_operands = 6 : i64, tpu.core_type = #tpu.core_type<sc_vector_subcore>, window_params = [{transform_indices = #map}, {transform_indices = #map1}, {transform_indices = #map2}]} {
    %mul3A = arith.constant 640 : i32
    %mul3A_0 = arith.muli %arg1, %mul3A : i32
    %mul3A_1 = arith.constant 16 : i32
    %mul3A_2 = arith.muli %arg0, %mul3A_1 : i32
    %add3A = arith.addi %mul3A_2, %arg1 : i32
    %mul3A_3 = arith.constant 10240 : i32
    %mul3A_4 = arith.muli %add3A, %mul3A_3 : i32
    "tpu.region"() ({
      %run_scoped3A = tpu.sem_alloc : memref<!tpu.dma_semaphore, #tpu.memory_space<semaphore_mem>>
      %dma_start3A_23 = arith.constant 0 : i32
      %dma_start3A_24 = tpu.memref_slice %arg5[%mul3A_0, %dma_start3A_23] : memref<10240x128xf32, #tpu.memory_space<vmem_shared>> -> memref<640x128xf32, #tpu.memory_space<vmem_shared>>
      %dma_start3A_25 = arith.constant 0 : i32
      %dma_start3A_26 = tpu.memref_slice %arg3[%mul3A_0, %dma_start3A_25] : memref<10240x128xf32, #tpu.memory_space<hbm>> -> memref<640x128xf32, #tpu.memory_space<hbm>>
      tpu.enqueue_dma source(%dma_start3A_26 : memref<640x128xf32, #tpu.memory_space<hbm>>) target(%dma_start3A_24 : memref<640x128xf32, #tpu.memory_space<vmem_shared>>) target_semaphore(%run_scoped3A : memref<!tpu.dma_semaphore, #tpu.memory_space<semaphore_mem>>)
      %dma_wait3A_27 = arith.constant 0 : i32
      %dma_wait3A_28 = tpu.memref_slice %arg5[%mul3A_0, %dma_wait3A_27] : memref<10240x128xf32, #tpu.memory_space<vmem_shared>> -> memref<640x128xf32, #tpu.memory_space<vmem_shared>>
      %dma_wait3A_29 = arith.constant 0 : i32
      %dma_wait3A_30 = tpu.memref_slice %arg3[%mul3A_0, %dma_wait3A_29] : memref<10240x128xf32, #tpu.memory_space<hbm>> -> memref<640x128xf32, #tpu.memory_space<hbm>>
      tpu.wait_dma2 semaphore(%run_scoped3A : memref<!tpu.dma_semaphore, #tpu.memory_space<semaphore_mem>>) src(%dma_wait3A_30 : memref<640x128xf32, #tpu.memory_space<hbm>>) dst(%dma_wait3A_28 : memref<640x128xf32, #tpu.memory_space<vmem_shared>>)
      tpu.yield
    }) : () -> ()
    %scan3A = arith.constant 0 : i32
    %scan3A_5 = arith.constant 0 : i32
    %scan3A_6 = arith.constant 128 : i32
    %scan3A_7 = arith.addi %scan3A_5, %scan3A_6 : i32
    %scan3A_8 = arith.constant 1 : i32
    scf.for %scan3A_23 = %scan3A_5 to %scan3A_7 step %scan3A_8  : i32 {
      %scan3A_24 = arith.constant 0 : i32
      %scan3A_25 = arith.constant 8 : i32
      %scan3A_26 = arith.addi %scan3A_24, %scan3A_25 : i32
      %scan3A_27 = arith.constant 1 : i32
      scf.for %scan3A_29 = %scan3A_24 to %scan3A_26 step %scan3A_27  : i32 {
        %broadcast_in_dim3A = arith.constant 1.000000e+00 : f32
        %broadcast_in_dim3A_30 = vector.broadcast %broadcast_in_dim3A : f32 to vector<16xf32>
        %mul3A_31 = arith.constant 16 : i32
        %mul3A_32 = arith.muli %scan3A_29, %mul3A_31 : i32
        %swap3A = arith.index_cast %scan3A_23 : i32 to index
        %swap3A_33 = arith.index_cast %mul3A_32 : i32 to index
        %swap3A_34 = tpu.vector_load %arg8[%swap3A, %swap3A_33] {strides = array<i32>} : memref<128x128xf32, #tpu.memory_space<vmem>>, vector<1x16xf32>,
        %swap3A_35 = vector.shape_cast %swap3A_34 : vector<1x16xf32> to vector<16xf32>
        %swap3A_36 = vector.shape_cast %broadcast_in_dim3A_30 : vector<16xf32> to vector<1x16xf32>
        tpu.vector_store %arg8[%swap3A, %swap3A_33], %swap3A_36 {strides = array<i32>} : memref<128x128xf32, #tpu.memory_space<vmem>>, vector<1x16xf32>,
      }
      %scan3A_28 = arith.constant 8 : i32
    }
    %scan3A_9 = arith.constant 128 : i32
    %barrier3A = arith.constant 0 : index
    tpu.barrier barrier_id(%barrier3A)
    %add3A_10 = arith.constant 0 : i32
    %add3A_11 = arith.addi %mul3A_4, %add3A_10 : i32
    %dma_start3A = tpu.memref_slice %arg2[%add3A_11] : memref<327936xi32, #tpu.memory_space<hbm>> -> memref<128xi32, #tpu.memory_space<hbm>>
    %dma_start3A_12 = tpu.memref_slice %arg2[%add3A_11] : memref<327936xi32, #tpu.memory_space<hbm>> -> memref<128xi32, #tpu.memory_space<hbm>>
    tpu.enqueue_dma source(%dma_start3A_12 : memref<128xi32, #tpu.memory_space<hbm>>) target(%arg6 : memref<128xi32, #tpu.memory_space<vmem>>) target_semaphore(%arg9 : memref<!tpu.dma_semaphore, #tpu.memory_space<semaphore_mem>>)
    %scan3A_13 = arith.constant 0 : i32
    %scan3A_14 = arith.constant 0 : i32
    %scan3A_15 = arith.constant 40 : i32
    %scan3A_16 = arith.addi %scan3A_14, %scan3A_15 : i32
    %scan3A_17 = arith.constant 1 : i32
    scf.for %scan3A_23 = %scan3A_14 to %scan3A_16 step %scan3A_17  : i32 {
      %mul3A_24 = arith.constant 2 : i32
      %mul3A_25 = arith.muli %mul3A_24, %scan3A_23 : i32
      %dma_wait3A_26 = arith.constant 0 : i32
      %dma_wait3A_27 = tpu.memref_slice %arg2[%dma_wait3A_26] : memref<327936xi32, #tpu.memory_space<hbm>> -> memref<128xi32, #tpu.memory_space<hbm>>
      %dma_wait3A_28 = arith.constant 0 : i32
      %dma_wait3A_29 = tpu.memref_slice %arg2[%dma_wait3A_28] : memref<327936xi32, #tpu.memory_space<hbm>> -> memref<128xi32, #tpu.memory_space<hbm>>
      tpu.wait_dma2 semaphore(%arg9 : memref<!tpu.dma_semaphore, #tpu.memory_space<semaphore_mem>>) src(%dma_wait3A_29 : memref<128xi32, #tpu.memory_space<hbm>>) dst(%arg6 : memref<128xi32, #tpu.memory_space<vmem>>)
      %add3A_30 = arith.constant 1 : i32
      %add3A_31 = arith.addi %mul3A_25, %add3A_30 : i32
      %mul3A_32 = arith.constant 128 : i32
      %mul3A_33 = arith.muli %add3A_31, %mul3A_32 : i32
      %add3A_34 = arith.addi %mul3A_4, %mul3A_33 : i32
      %dma_start3A_35 = tpu.memref_slice %arg2[%add3A_34] : memref<327936xi32, #tpu.memory_space<hbm>> -> memref<128xi32, #tpu.memory_space<hbm>>
      %dma_start3A_36 = tpu.memref_slice %arg2[%add3A_34] : memref<327936xi32, #tpu.memory_space<hbm>> -> memref<128xi32, #tpu.memory_space<hbm>>
      tpu.enqueue_dma source(%dma_start3A_36 : memref<128xi32, #tpu.memory_space<hbm>>) target(%arg7 : memref<128xi32, #tpu.memory_space<vmem>>) target_semaphore(%arg10 : memref<!tpu.dma_semaphore, #tpu.memory_space<semaphore_mem>>)
      "tpu.region"() ({
        %run_scoped3A = tpu.sem_alloc : memref<!tpu.dma_semaphore, #tpu.memory_space<semaphore_mem>>
        %dma_start3A_52 = arith.constant 0 : i32
        %dma_start3A_53 = arith.constant 0 : i32
        %dma_start3A_54 = tpu.memref_slice %arg5[%dma_start3A_52, %dma_start3A_53] : memref<10240x128xf32, #tpu.memory_space<vmem_shared>> -> memref<10240x128xf32, #tpu.memory_space<vmem_shared>>
        tpu.enqueue_indirect_dma source(%arg8 : memref<128x128xf32, #tpu.memory_space<vmem>>) target(%dma_start3A_54 : memref<10240x128xf32, #tpu.memory_space<vmem_shared>>) offsets(%arg6 : memref<128xi32, #tpu.memory_space<vmem>>) semaphore(%run_scoped3A : memref<!tpu.dma_semaphore, #tpu.memory_space<semaphore_mem>>) {add = true}
        %dma_wait3A_55 = arith.constant 0 : i32
        %dma_wait3A_56 = arith.constant 0 : i32
        %dma_wait3A_57 = tpu.memref_slice %arg5[%dma_wait3A_55, %dma_wait3A_56] : memref<10240x128xf32, #tpu.memory_space<vmem_shared>> -> memref<10240x128xf32, #tpu.memory_space<vmem_shared>>
        tpu.wait_indirect_dma semaphore(%run_scoped3A : memref<!tpu.dma_semaphore, #tpu.memory_space<semaphore_mem>>) src(%arg8 : memref<128x128xf32, #tpu.memory_space<vmem>>) dst(%dma_wait3A_57 : memref<10240x128xf32, #tpu.memory_space<vmem_shared>>)
        tpu.yield
      }) : () -> ()
      %mul3A_37 = arith.constant 2 : i32
      %mul3A_38 = arith.muli %mul3A_37, %scan3A_23 : i32
      %add3A_39 = arith.constant 1 : i32
      %add3A_40 = arith.addi %mul3A_38, %add3A_39 : i32
      %dma_wait3A_41 = arith.constant 0 : i32
      %dma_wait3A_42 = tpu.memref_slice %arg2[%dma_wait3A_41] : memref<327936xi32, #tpu.memory_space<hbm>> -> memref<128xi32, #tpu.memory_space<hbm>>
      %dma_wait3A_43 = arith.constant 0 : i32
      %dma_wait3A_44 = tpu.memref_slice %arg2[%dma_wait3A_43] : memref<327936xi32, #tpu.memory_space<hbm>> -> memref<128xi32, #tpu.memory_space<hbm>>
      tpu.wait_dma2 semaphore(%arg10 : memref<!tpu.dma_semaphore, #tpu.memory_space<semaphore_mem>>) src(%dma_wait3A_44 : memref<128xi32, #tpu.memory_space<hbm>>) dst(%arg7 : memref<128xi32, #tpu.memory_space<vmem>>)
      %add3A_45 = arith.constant 1 : i32
      %add3A_46 = arith.addi %add3A_40, %add3A_45 : i32
      %mul3A_47 = arith.constant 128 : i32
      %mul3A_48 = arith.muli %add3A_46, %mul3A_47 : i32
      %add3A_49 = arith.addi %mul3A_4, %mul3A_48 : i32
      %dma_start3A_50 = tpu.memref_slice %arg2[%add3A_49] : memref<327936xi32, #tpu.memory_space<hbm>> -> memref<128xi32, #tpu.memory_space<hbm>>
      %dma_start3A_51 = tpu.memref_slice %arg2[%add3A_49] : memref<327936xi32, #tpu.memory_space<hbm>> -> memref<128xi32, #tpu.memory_space<hbm>>
      tpu.enqueue_dma source(%dma_start3A_51 : memref<128xi32, #tpu.memory_space<hbm>>) target(%arg6 : memref<128xi32, #tpu.memory_space<vmem>>) target_semaphore(%arg9 : memref<!tpu.dma_semaphore, #tpu.memory_space<semaphore_mem>>)
      "tpu.region"() ({
        %run_scoped3A = tpu.sem_alloc : memref<!tpu.dma_semaphore, #tpu.memory_space<semaphore_mem>>
        %dma_start3A_52 = arith.constant 0 : i32
        %dma_start3A_53 = arith.constant 0 : i32
        %dma_start3A_54 = tpu.memref_slice %arg5[%dma_start3A_52, %dma_start3A_53] : memref<10240x128xf32, #tpu.memory_space<vmem_shared>> -> memref<10240x128xf32, #tpu.memory_space<vmem_shared>>
        tpu.enqueue_indirect_dma source(%arg8 : memref<128x128xf32, #tpu.memory_space<vmem>>) target(%dma_start3A_54 : memref<10240x128xf32, #tpu.memory_space<vmem_shared>>) offsets(%arg7 : memref<128xi32, #tpu.memory_space<vmem>>) semaphore(%run_scoped3A : memref<!tpu.dma_semaphore, #tpu.memory_space<semaphore_mem>>) {add = true}
        %dma_wait3A_55 = arith.constant 0 : i32
        %dma_wait3A_56 = arith.constant 0 : i32
        %dma_wait3A_57 = tpu.memref_slice %arg5[%dma_wait3A_55, %dma_wait3A_56] : memref<10240x128xf32, #tpu.memory_space<vmem_shared>> -> memref<10240x128xf32, #tpu.memory_space<vmem_shared>>
        tpu.wait_indirect_dma semaphore(%run_scoped3A : memref<!tpu.dma_semaphore, #tpu.memory_space<semaphore_mem>>) src(%arg8 : memref<128x128xf32, #tpu.memory_space<vmem>>) dst(%dma_wait3A_57 : memref<10240x128xf32, #tpu.memory_space<vmem_shared>>)
        tpu.yield
      }) : () -> ()
    }
    %scan3A_18 = arith.constant 40 : i32
    %dma_wait3A = arith.constant 0 : i32
    %dma_wait3A_19 = tpu.memref_slice %arg2[%dma_wait3A] : memref<327936xi32, #tpu.memory_space<hbm>> -> memref<128xi32, #tpu.memory_space<hbm>>
    %dma_wait3A_20 = arith.constant 0 : i32
    %dma_wait3A_21 = tpu.memref_slice %arg2[%dma_wait3A_20] : memref<327936xi32, #tpu.memory_space<hbm>> -> memref<128xi32, #tpu.memory_space<hbm>>
    tpu.wait_dma2 semaphore(%arg9 : memref<!tpu.dma_semaphore, #tpu.memory_space<semaphore_mem>>) src(%dma_wait3A_21 : memref<128xi32, #tpu.memory_space<hbm>>) dst(%arg6 : memref<128xi32, #tpu.memory_space<vmem>>)
    %barrier3A_22 = arith.constant 0 : index
    tpu.barrier barrier_id(%barrier3A_22)
    "tpu.region"() ({
      %run_scoped3A = tpu.sem_alloc : memref<!tpu.dma_semaphore, #tpu.memory_space<semaphore_mem>>
      %dma_start3A_23 = arith.constant 0 : i32
      %dma_start3A_24 = tpu.memref_slice %arg4[%arg0, %mul3A_0, %dma_start3A_23] : memref<2x10240x128xf32, #tpu.memory_space<hbm>> -> memref<1x640x128xf32, #tpu.memory_space<hbm>>
      %dma_start3A_25 = tpu.memref_squeeze %dma_start3A_24 : memref<1x640x128xf32, #tpu.memory_space<hbm>> -> memref<640x128xf32, #tpu.memory_space<hbm>>
      %dma_start3A_26 = arith.constant 0 : i32
      %dma_start3A_27 = tpu.memref_slice %arg5[%mul3A_0, %dma_start3A_26] : memref<10240x128xf32, #tpu.memory_space<vmem_shared>> -> memref<640x128xf32, #tpu.memory_space<vmem_shared>>
      tpu.enqueue_dma source(%dma_start3A_27 : memref<640x128xf32, #tpu.memory_space<vmem_shared>>) target(%dma_start3A_25 : memref<640x128xf32, #tpu.memory_space<hbm>>) target_semaphore(%run_scoped3A : memref<!tpu.dma_semaphore, #tpu.memory_space<semaphore_mem>>)
      %dma_wait3A_28 = arith.constant 0 : i32
      %dma_wait3A_29 = tpu.memref_slice %arg4[%arg0, %mul3A_0, %dma_wait3A_28] : memref<2x10240x128xf32, #tpu.memory_space<hbm>> -> memref<1x640x128xf32, #tpu.memory_space<hbm>>
      %dma_wait3A_30 = tpu.memref_squeeze %dma_wait3A_29 : memref<1x640x128xf32, #tpu.memory_space<hbm>> -> memref<640x128xf32, #tpu.memory_space<hbm>>
      %dma_wait3A_31 = arith.constant 0 : i32
      %dma_wait3A_32 = tpu.memref_slice %arg5[%mul3A_0, %dma_wait3A_31] : memref<10240x128xf32, #tpu.memory_space<vmem_shared>> -> memref<640x128xf32, #tpu.memory_space<vmem_shared>>
      tpu.wait_dma2 semaphore(%run_scoped3A : memref<!tpu.dma_semaphore, #tpu.memory_space<semaphore_mem>>) src(%dma_wait3A_32 : memref<640x128xf32, #tpu.memory_space<vmem_shared>>) dst(%dma_wait3A_30 : memref<640x128xf32, #tpu.memory_space<hbm>>)
      tpu.yield
    }) : () -> ()
    return
  }
}

#map = affine_map<(d0, d1) -> (0, 0)>
#map1 = affine_map<(d0, d1) -> (0)>
#map2 = affine_map<(d0, d1) -> (0, 0, 0)>
module attributes {stable_mosaic.version = 14 : i64} {
  func.func @_edge_agg(%arg0: i32, %arg1: i32, %arg2: memref<10240x128xf32, #tpu.memory_space<hbm>>, %arg3: memref<327936xi32, #tpu.memory_space<hbm>>, %arg4: memref<327936xi32, #tpu.memory_space<hbm>>, %arg5: memref<10240x128xf32, #tpu.memory_space<hbm>>, %arg6: memref<2x10240x128xf32, #tpu.memory_space<hbm>>, %arg7: memref<10240x128xf32, #tpu.memory_space<vmem_shared>>, %arg8: memref<128xi32, #tpu.memory_space<vmem>>, %arg9: memref<128xi32, #tpu.memory_space<vmem>>, %arg10: memref<128xi32, #tpu.memory_space<vmem>>, %arg11: memref<128xi32, #tpu.memory_space<vmem>>, %arg12: memref<128x128xf32, #tpu.memory_space<vmem>>, %arg13: memref<128x128xf32, #tpu.memory_space<vmem>>, %arg14: memref<!tpu.dma_semaphore, #tpu.memory_space<semaphore_mem>>, %arg15: memref<!tpu.dma_semaphore, #tpu.memory_space<semaphore_mem>>, %arg16: memref<!tpu.dma_semaphore, #tpu.memory_space<semaphore_mem>>, %arg17: memref<!tpu.dma_semaphore, #tpu.memory_space<semaphore_mem>>, %arg18: memref<!tpu.dma_semaphore, #tpu.memory_space<semaphore_mem>>, %arg19: memref<!tpu.dma_semaphore, #tpu.memory_space<semaphore_mem>>) attributes {dimension_semantics = [#tpu.dimension_semantics<core_parallel>, #tpu.dimension_semantics<subcore_parallel>], iteration_bounds = array<i64: 2, 16>, scalar_prefetch = 0 : i64, scratch_operands = 13 : i64, tpu.core_type = #tpu.core_type<sc_vector_subcore>, window_params = [{transform_indices = #map}, {transform_indices = #map1}, {transform_indices = #map1}, {transform_indices = #map}, {transform_indices = #map2}]} {
    %mul3A = arith.constant 640 : i32
    %mul3A_0 = arith.muli %arg1, %mul3A : i32
    %mul3A_1 = arith.constant 16 : i32
    %mul3A_2 = arith.muli %arg0, %mul3A_1 : i32
    %add3A = arith.addi %mul3A_2, %arg1 : i32
    %mul3A_3 = arith.constant 10240 : i32
    %mul3A_4 = arith.muli %add3A, %mul3A_3 : i32
    %eq3A = arith.constant 0 : i32
    %eq3A_5 = arith.cmpi eq, %arg0, %eq3A : i32
    %mul3A_6 = arith.constant 19456 : i32
    %mul3A_7 = arith.muli %arg1, %mul3A_6 : i32
    %mul3A_8 = arith.constant 1024 : i32
    %mul3A_9 = arith.muli %arg1, %mul3A_8 : i32
    %add3A_10 = arith.constant 311296 : i32
    %add3A_11 = arith.addi %add3A_10, %mul3A_9 : i32
    %select_n3A = arith.select %eq3A_5, %mul3A_7, %add3A_11 : i32
    %eq3A_12 = arith.constant 0 : i32
    %eq3A_13 = arith.cmpi eq, %arg0, %eq3A_12 : i32
    %jit3A = arith.constant 152 : i32
    %jit3A_14 = arith.constant 8 : i32
    %select_n3A_15 = arith.select %eq3A_13, %jit3A, %jit3A_14 : i32
    "tpu.region"() ({
      %run_scoped3A = tpu.sem_alloc : memref<!tpu.dma_semaphore, #tpu.memory_space<semaphore_mem>>
      %dma_start3A_76 = arith.constant 0 : i32
      %dma_start3A_77 = tpu.memref_slice %arg7[%mul3A_0, %dma_start3A_76] : memref<10240x128xf32, #tpu.memory_space<vmem_shared>> -> memref<640x128xf32, #tpu.memory_space<vmem_shared>>
      %dma_start3A_78 = arith.constant 0 : i32
      %dma_start3A_79 = tpu.memref_slice %arg5[%mul3A_0, %dma_start3A_78] : memref<10240x128xf32, #tpu.memory_space<hbm>> -> memref<640x128xf32, #tpu.memory_space<hbm>>
      tpu.enqueue_dma source(%dma_start3A_79 : memref<640x128xf32, #tpu.memory_space<hbm>>) target(%dma_start3A_77 : memref<640x128xf32, #tpu.memory_space<vmem_shared>>) target_semaphore(%run_scoped3A : memref<!tpu.dma_semaphore, #tpu.memory_space<semaphore_mem>>)
      %dma_wait3A_80 = arith.constant 0 : i32
      %dma_wait3A_81 = tpu.memref_slice %arg7[%mul3A_0, %dma_wait3A_80] : memref<10240x128xf32, #tpu.memory_space<vmem_shared>> -> memref<640x128xf32, #tpu.memory_space<vmem_shared>>
      %dma_wait3A_82 = arith.constant 0 : i32
      %dma_wait3A_83 = tpu.memref_slice %arg5[%mul3A_0, %dma_wait3A_82] : memref<10240x128xf32, #tpu.memory_space<hbm>> -> memref<640x128xf32, #tpu.memory_space<hbm>>
      tpu.wait_dma2 semaphore(%run_scoped3A : memref<!tpu.dma_semaphore, #tpu.memory_space<semaphore_mem>>) src(%dma_wait3A_83 : memref<640x128xf32, #tpu.memory_space<hbm>>) dst(%dma_wait3A_81 : memref<640x128xf32, #tpu.memory_space<vmem_shared>>)
      tpu.yield
    }) : () -> ()
    %barrier3A = arith.constant 0 : index
    tpu.barrier barrier_id(%barrier3A)
    %add3A_16 = arith.constant 0 : i32
    %add3A_17 = arith.addi %select_n3A, %add3A_16 : i32
    %dma_start3A = tpu.memref_slice %arg3[%add3A_17] : memref<327936xi32, #tpu.memory_space<hbm>> -> memref<128xi32, #tpu.memory_space<hbm>>
    %dma_start3A_18 = tpu.memref_slice %arg3[%add3A_17] : memref<327936xi32, #tpu.memory_space<hbm>> -> memref<128xi32, #tpu.memory_space<hbm>>
    tpu.enqueue_dma source(%dma_start3A_18 : memref<128xi32, #tpu.memory_space<hbm>>) target(%arg8 : memref<128xi32, #tpu.memory_space<vmem>>) target_semaphore(%arg16 : memref<!tpu.dma_semaphore, #tpu.memory_space<semaphore_mem>>)
    %dma_start3A_19 = tpu.memref_slice %arg4[%add3A_17] : memref<327936xi32, #tpu.memory_space<hbm>> -> memref<128xi32, #tpu.memory_space<hbm>>
    %dma_start3A_20 = tpu.memref_slice %arg4[%add3A_17] : memref<327936xi32, #tpu.memory_space<hbm>> -> memref<128xi32, #tpu.memory_space<hbm>>
    tpu.enqueue_dma source(%dma_start3A_20 : memref<128xi32, #tpu.memory_space<hbm>>) target(%arg10 : memref<128xi32, #tpu.memory_space<vmem>>) target_semaphore(%arg18 : memref<!tpu.dma_semaphore, #tpu.memory_space<semaphore_mem>>)
    %dma_wait3A = arith.constant 0 : i32
    %dma_wait3A_21 = tpu.memref_slice %arg3[%dma_wait3A] : memref<327936xi32, #tpu.memory_space<hbm>> -> memref<128xi32, #tpu.memory_space<hbm>>
    %dma_wait3A_22 = arith.constant 0 : i32
    %dma_wait3A_23 = tpu.memref_slice %arg3[%dma_wait3A_22] : memref<327936xi32, #tpu.memory_space<hbm>> -> memref<128xi32, #tpu.memory_space<hbm>>
    tpu.wait_dma2 semaphore(%arg16 : memref<!tpu.dma_semaphore, #tpu.memory_space<semaphore_mem>>) src(%dma_wait3A_23 : memref<128xi32, #tpu.memory_space<hbm>>) dst(%arg8 : memref<128xi32, #tpu.memory_space<vmem>>)
    %dma_wait3A_24 = arith.constant 0 : i32
    %dma_wait3A_25 = tpu.memref_slice %arg4[%dma_wait3A_24] : memref<327936xi32, #tpu.memory_space<hbm>> -> memref<128xi32, #tpu.memory_space<hbm>>
    %dma_wait3A_26 = arith.constant 0 : i32
    %dma_wait3A_27 = tpu.memref_slice %arg4[%dma_wait3A_26] : memref<327936xi32, #tpu.memory_space<hbm>> -> memref<128xi32, #tpu.memory_space<hbm>>
    tpu.wait_dma2 semaphore(%arg18 : memref<!tpu.dma_semaphore, #tpu.memory_space<semaphore_mem>>) src(%dma_wait3A_27 : memref<128xi32, #tpu.memory_space<hbm>>) dst(%arg10 : memref<128xi32, #tpu.memory_space<vmem>>)
    %dma_start3A_28 = arith.constant 0 : i32
    %dma_start3A_29 = arith.constant 0 : i32
    %dma_start3A_30 = tpu.memref_slice %arg2[%dma_start3A_28, %dma_start3A_29] : memref<10240x128xf32, #tpu.memory_space<hbm>> -> memref<10240x128xf32, #tpu.memory_space<hbm>>
    tpu.enqueue_indirect_dma source(%dma_start3A_30 : memref<10240x128xf32, #tpu.memory_space<hbm>>) target(%arg12 : memref<128x128xf32, #tpu.memory_space<vmem>>) offsets(%arg8 : memref<128xi32, #tpu.memory_space<vmem>>) semaphore(%arg14 : memref<!tpu.dma_semaphore, #tpu.memory_space<semaphore_mem>>)
    %add3A_31 = arith.constant 128 : i32
    %add3A_32 = arith.addi %select_n3A, %add3A_31 : i32
    %dma_start3A_33 = tpu.memref_slice %arg3[%add3A_32] : memref<327936xi32, #tpu.memory_space<hbm>> -> memref<128xi32, #tpu.memory_space<hbm>>
    %dma_start3A_34 = tpu.memref_slice %arg3[%add3A_32] : memref<327936xi32, #tpu.memory_space<hbm>> -> memref<128xi32, #tpu.memory_space<hbm>>
    tpu.enqueue_dma source(%dma_start3A_34 : memref<128xi32, #tpu.memory_space<hbm>>) target(%arg9 : memref<128xi32, #tpu.memory_space<vmem>>) target_semaphore(%arg17 : memref<!tpu.dma_semaphore, #tpu.memory_space<semaphore_mem>>)
    %dma_start3A_35 = tpu.memref_slice %arg4[%add3A_32] : memref<327936xi32, #tpu.memory_space<hbm>> -> memref<128xi32, #tpu.memory_space<hbm>>
    %dma_start3A_36 = tpu.memref_slice %arg4[%add3A_32] : memref<327936xi32, #tpu.memory_space<hbm>> -> memref<128xi32, #tpu.memory_space<hbm>>
    tpu.enqueue_dma source(%dma_start3A_36 : memref<128xi32, #tpu.memory_space<hbm>>) target(%arg11 : memref<128xi32, #tpu.memory_space<vmem>>) target_semaphore(%arg19 : memref<!tpu.dma_semaphore, #tpu.memory_space<semaphore_mem>>)
    %jit3A_37 = arith.constant 2 : i32
    %div3A = arith.divsi %select_n3A_15, %jit3A_37 : i32
    %sign3A = arith.constant 0 : i32
    %sign3A_38 = arith.cmpi sgt, %select_n3A_15, %sign3A : i32
    %sign3A_39 = arith.extui %sign3A_38 : i1 to i32
    %sign3A_40 = arith.constant 0 : i32
    %sign3A_41 = arith.cmpi slt, %select_n3A_15, %sign3A_40 : i32
    %sign3A_42 = arith.extui %sign3A_41 : i1 to i32
    %sign3A_43 = arith.subi %sign3A_39, %sign3A_42 : i32
    %sign3A_44 = arith.constant 0 : i32
    %sign3A_45 = arith.cmpi sgt, %jit3A_37, %sign3A_44 : i32
    %sign3A_46 = arith.extui %sign3A_45 : i1 to i32
    %sign3A_47 = arith.constant 0 : i32
    %sign3A_48 = arith.cmpi slt, %jit3A_37, %sign3A_47 : i32
    %sign3A_49 = arith.extui %sign3A_48 : i1 to i32
    %sign3A_50 = arith.subi %sign3A_46, %sign3A_49 : i32
    %ne3A = arith.cmpi ne, %sign3A_43, %sign3A_50 : i32
    %rem3A = arith.remsi %select_n3A_15, %jit3A_37 : i32
    %ne3A_51 = arith.constant 0 : i32
    %ne3A_52 = arith.cmpi ne, %rem3A, %ne3A_51 : i32
    %and3A = arith.andi %ne3A, %ne3A_52 : i1
    %sub3A = arith.constant 1 : i32
    %sub3A_53 = arith.subi %div3A, %sub3A : i32
    %select_n3A_54 = arith.select %and3A, %sub3A_53, %div3A : i32
    %while3A = arith.constant 0 : i32
    %while3A_55 = arith.constant 0 : i32
    %while3A_56 = arith.subi %select_n3A_54, %while3A_55 : i32
    %while3A_57 = arith.addi %while3A_55, %while3A_56 : i32
    %while3A_58 = arith.constant 1 : i32
    %while3A_59 = arith.divsi %while3A_56, %while3A_58 : i32
    %while3A_60 = arith.muli %while3A_59, %while3A_58 : i32
    %while3A_61 = arith.addi %while3A_55, %while3A_60 : i32
    %while3A_62 = arith.constant 1 : i32
    scf.for %while3A_76 = %while3A_55 to %while3A_61 step %while3A_62  : i32 {
      %mul3A_77 = arith.constant 2 : i32
      %mul3A_78 = arith.muli %mul3A_77, %while3A_76 : i32
      %add3A_79 = arith.constant 0 : i32
      %add3A_80 = arith.addi %mul3A_78, %add3A_79 : i32
      %dma_wait3A_81 = arith.constant 0 : i32
      %dma_wait3A_82 = arith.constant 0 : i32
      %dma_wait3A_83 = tpu.memref_slice %arg2[%dma_wait3A_81, %dma_wait3A_82] : memref<10240x128xf32, #tpu.memory_space<hbm>> -> memref<10240x128xf32, #tpu.memory_space<hbm>>
      tpu.wait_indirect_dma semaphore(%arg14 : memref<!tpu.dma_semaphore, #tpu.memory_space<semaphore_mem>>) src(%dma_wait3A_83 : memref<10240x128xf32, #tpu.memory_space<hbm>>) dst(%arg12 : memref<128x128xf32, #tpu.memory_space<vmem>>)
      %dma_wait3A_84 = arith.constant 0 : i32
      %dma_wait3A_85 = tpu.memref_slice %arg3[%dma_wait3A_84] : memref<327936xi32, #tpu.memory_space<hbm>> -> memref<128xi32, #tpu.memory_space<hbm>>
      %dma_wait3A_86 = arith.constant 0 : i32
      %dma_wait3A_87 = tpu.memref_slice %arg3[%dma_wait3A_86] : memref<327936xi32, #tpu.memory_space<hbm>> -> memref<128xi32, #tpu.memory_space<hbm>>
      tpu.wait_dma2 semaphore(%arg17 : memref<!tpu.dma_semaphore, #tpu.memory_space<semaphore_mem>>) src(%dma_wait3A_87 : memref<128xi32, #tpu.memory_space<hbm>>) dst(%arg9 : memref<128xi32, #tpu.memory_space<vmem>>)
      %dma_wait3A_88 = arith.constant 0 : i32
      %dma_wait3A_89 = tpu.memref_slice %arg4[%dma_wait3A_88] : memref<327936xi32, #tpu.memory_space<hbm>> -> memref<128xi32, #tpu.memory_space<hbm>>
      %dma_wait3A_90 = arith.constant 0 : i32
      %dma_wait3A_91 = tpu.memref_slice %arg4[%dma_wait3A_90] : memref<327936xi32, #tpu.memory_space<hbm>> -> memref<128xi32, #tpu.memory_space<hbm>>
      tpu.wait_dma2 semaphore(%arg19 : memref<!tpu.dma_semaphore, #tpu.memory_space<semaphore_mem>>) src(%dma_wait3A_91 : memref<128xi32, #tpu.memory_space<hbm>>) dst(%arg11 : memref<128xi32, #tpu.memory_space<vmem>>)
      %dma_start3A_92 = arith.constant 0 : i32
      %dma_start3A_93 = arith.constant 0 : i32
      %dma_start3A_94 = tpu.memref_slice %arg2[%dma_start3A_92, %dma_start3A_93] : memref<10240x128xf32, #tpu.memory_space<hbm>> -> memref<10240x128xf32, #tpu.memory_space<hbm>>
      tpu.enqueue_indirect_dma source(%dma_start3A_94 : memref<10240x128xf32, #tpu.memory_space<hbm>>) target(%arg13 : memref<128x128xf32, #tpu.memory_space<vmem>>) offsets(%arg9 : memref<128xi32, #tpu.memory_space<vmem>>) semaphore(%arg15 : memref<!tpu.dma_semaphore, #tpu.memory_space<semaphore_mem>>)
      "tpu.region"() ({
        %run_scoped3A = tpu.sem_alloc : memref<!tpu.dma_semaphore, #tpu.memory_space<semaphore_mem>>
        %dma_start3A_131 = arith.constant 0 : i32
        %dma_start3A_132 = arith.constant 0 : i32
        %dma_start3A_133 = tpu.memref_slice %arg7[%dma_start3A_131, %dma_start3A_132] : memref<10240x128xf32, #tpu.memory_space<vmem_shared>> -> memref<10240x128xf32, #tpu.memory_space<vmem_shared>>
        tpu.enqueue_indirect_dma source(%arg12 : memref<128x128xf32, #tpu.memory_space<vmem>>) target(%dma_start3A_133 : memref<10240x128xf32, #tpu.memory_space<vmem_shared>>) offsets(%arg10 : memref<128xi32, #tpu.memory_space<vmem>>) semaphore(%run_scoped3A : memref<!tpu.dma_semaphore, #tpu.memory_space<semaphore_mem>>) {add = true}
        %dma_wait3A_134 = arith.constant 0 : i32
        %dma_wait3A_135 = arith.constant 0 : i32
        %dma_wait3A_136 = tpu.memref_slice %arg7[%dma_wait3A_134, %dma_wait3A_135] : memref<10240x128xf32, #tpu.memory_space<vmem_shared>> -> memref<10240x128xf32, #tpu.memory_space<vmem_shared>>
        tpu.wait_indirect_dma semaphore(%run_scoped3A : memref<!tpu.dma_semaphore, #tpu.memory_space<semaphore_mem>>) src(%arg12 : memref<128x128xf32, #tpu.memory_space<vmem>>) dst(%dma_wait3A_136 : memref<10240x128xf32, #tpu.memory_space<vmem_shared>>)
        tpu.yield
      }) : () -> ()
      %add3A_95 = arith.constant 2 : i32
      %add3A_96 = arith.addi %add3A_80, %add3A_95 : i32
      %mul3A_97 = arith.constant 128 : i32
      %mul3A_98 = arith.muli %add3A_96, %mul3A_97 : i32
      %add3A_99 = arith.addi %select_n3A, %mul3A_98 : i32
      %dma_start3A_100 = tpu.memref_slice %arg3[%add3A_99] : memref<327936xi32, #tpu.memory_space<hbm>> -> memref<128xi32, #tpu.memory_space<hbm>>
      %dma_start3A_101 = tpu.memref_slice %arg3[%add3A_99] : memref<327936xi32, #tpu.memory_space<hbm>> -> memref<128xi32, #tpu.memory_space<hbm>>
      tpu.enqueue_dma source(%dma_start3A_101 : memref<128xi32, #tpu.memory_space<hbm>>) target(%arg8 : memref<128xi32, #tpu.memory_space<vmem>>) target_semaphore(%arg16 : memref<!tpu.dma_semaphore, #tpu.memory_space<semaphore_mem>>)
      %dma_start3A_102 = tpu.memref_slice %arg4[%add3A_99] : memref<327936xi32, #tpu.memory_space<hbm>> -> memref<128xi32, #tpu.memory_space<hbm>>
      %dma_start3A_103 = tpu.memref_slice %arg4[%add3A_99] : memref<327936xi32, #tpu.memory_space<hbm>> -> memref<128xi32, #tpu.memory_space<hbm>>
      tpu.enqueue_dma source(%dma_start3A_103 : memref<128xi32, #tpu.memory_space<hbm>>) target(%arg10 : memref<128xi32, #tpu.memory_space<vmem>>) target_semaphore(%arg18 : memref<!tpu.dma_semaphore, #tpu.memory_space<semaphore_mem>>)
      %mul3A_104 = arith.constant 2 : i32
      %mul3A_105 = arith.muli %mul3A_104, %while3A_76 : i32
      %add3A_106 = arith.constant 1 : i32
      %add3A_107 = arith.addi %mul3A_105, %add3A_106 : i32
      %dma_wait3A_108 = arith.constant 0 : i32
      %dma_wait3A_109 = arith.constant 0 : i32
      %dma_wait3A_110 = tpu.memref_slice %arg2[%dma_wait3A_108, %dma_wait3A_109] : memref<10240x128xf32, #tpu.memory_space<hbm>> -> memref<10240x128xf32, #tpu.memory_space<hbm>>
      tpu.wait_indirect_dma semaphore(%arg15 : memref<!tpu.dma_semaphore, #tpu.memory_space<semaphore_mem>>) src(%dma_wait3A_110 : memref<10240x128xf32, #tpu.memory_space<hbm>>) dst(%arg13 : memref<128x128xf32, #tpu.memory_space<vmem>>)
      %dma_wait3A_111 = arith.constant 0 : i32
      %dma_wait3A_112 = tpu.memref_slice %arg3[%dma_wait3A_111] : memref<327936xi32, #tpu.memory_space<hbm>> -> memref<128xi32, #tpu.memory_space<hbm>>
      %dma_wait3A_113 = arith.constant 0 : i32
      %dma_wait3A_114 = tpu.memref_slice %arg3[%dma_wait3A_113] : memref<327936xi32, #tpu.memory_space<hbm>> -> memref<128xi32, #tpu.memory_space<hbm>>
      tpu.wait_dma2 semaphore(%arg16 : memref<!tpu.dma_semaphore, #tpu.memory_space<semaphore_mem>>) src(%dma_wait3A_114 : memref<128xi32, #tpu.memory_space<hbm>>) dst(%arg8 : memref<128xi32, #tpu.memory_space<vmem>>)
      %dma_wait3A_115 = arith.constant 0 : i32
      %dma_wait3A_116 = tpu.memref_slice %arg4[%dma_wait3A_115] : memref<327936xi32, #tpu.memory_space<hbm>> -> memref<128xi32, #tpu.memory_space<hbm>>
      %dma_wait3A_117 = arith.constant 0 : i32
      %dma_wait3A_118 = tpu.memref_slice %arg4[%dma_wait3A_117] : memref<327936xi32, #tpu.memory_space<hbm>> -> memref<128xi32, #tpu.memory_space<hbm>>
      tpu.wait_dma2 semaphore(%arg18 : memref<!tpu.dma_semaphore, #tpu.memory_space<semaphore_mem>>) src(%dma_wait3A_118 : memref<128xi32, #tpu.memory_space<hbm>>) dst(%arg10 : memref<128xi32, #tpu.memory_space<vmem>>)
      %dma_start3A_119 = arith.constant 0 : i32
      %dma_start3A_120 = arith.constant 0 : i32
      %dma_start3A_121 = tpu.memref_slice %arg2[%dma_start3A_119, %dma_start3A_120] : memref<10240x128xf32, #tpu.memory_space<hbm>> -> memref<10240x128xf32, #tpu.memory_space<hbm>>
      tpu.enqueue_indirect_dma source(%dma_start3A_121 : memref<10240x128xf32, #tpu.memory_space<hbm>>) target(%arg12 : memref<128x128xf32, #tpu.memory_space<vmem>>) offsets(%arg8 : memref<128xi32, #tpu.memory_space<vmem>>) semaphore(%arg14 : memref<!tpu.dma_semaphore, #tpu.memory_space<semaphore_mem>>)
      "tpu.region"() ({
        %run_scoped3A = tpu.sem_alloc : memref<!tpu.dma_semaphore, #tpu.memory_space<semaphore_mem>>
        %dma_start3A_131 = arith.constant 0 : i32
        %dma_start3A_132 = arith.constant 0 : i32
        %dma_start3A_133 = tpu.memref_slice %arg7[%dma_start3A_131, %dma_start3A_132] : memref<10240x128xf32, #tpu.memory_space<vmem_shared>> -> memref<10240x128xf32, #tpu.memory_space<vmem_shared>>
        tpu.enqueue_indirect_dma source(%arg13 : memref<128x128xf32, #tpu.memory_space<vmem>>) target(%dma_start3A_133 : memref<10240x128xf32, #tpu.memory_space<vmem_shared>>) offsets(%arg11 : memref<128xi32, #tpu.memory_space<vmem>>) semaphore(%run_scoped3A : memref<!tpu.dma_semaphore, #tpu.memory_space<semaphore_mem>>) {add = true}
        %dma_wait3A_134 = arith.constant 0 : i32
        %dma_wait3A_135 = arith.constant 0 : i32
        %dma_wait3A_136 = tpu.memref_slice %arg7[%dma_wait3A_134, %dma_wait3A_135] : memref<10240x128xf32, #tpu.memory_space<vmem_shared>> -> memref<10240x128xf32, #tpu.memory_space<vmem_shared>>
        tpu.wait_indirect_dma semaphore(%run_scoped3A : memref<!tpu.dma_semaphore, #tpu.memory_space<semaphore_mem>>) src(%arg13 : memref<128x128xf32, #tpu.memory_space<vmem>>) dst(%dma_wait3A_136 : memref<10240x128xf32, #tpu.memory_space<vmem_shared>>)
        tpu.yield
      }) : () -> ()
      %add3A_122 = arith.constant 2 : i32
      %add3A_123 = arith.addi %add3A_107, %add3A_122 : i32
      %mul3A_124 = arith.constant 128 : i32
      %mul3A_125 = arith.muli %add3A_123, %mul3A_124 : i32
      %add3A_126 = arith.addi %select_n3A, %mul3A_125 : i32
      %dma_start3A_127 = tpu.memref_slice %arg3[%add3A_126] : memref<327936xi32, #tpu.memory_space<hbm>> -> memref<128xi32, #tpu.memory_space<hbm>>
      %dma_start3A_128 = tpu.memref_slice %arg3[%add3A_126] : memref<327936xi32, #tpu.memory_space<hbm>> -> memref<128xi32, #tpu.memory_space<hbm>>
      tpu.enqueue_dma source(%dma_start3A_128 : memref<128xi32, #tpu.memory_space<hbm>>) target(%arg9 : memref<128xi32, #tpu.memory_space<vmem>>) target_semaphore(%arg17 : memref<!tpu.dma_semaphore, #tpu.memory_space<semaphore_mem>>)
      %dma_start3A_129 = tpu.memref_slice %arg4[%add3A_126] : memref<327936xi32, #tpu.memory_space<hbm>> -> memref<128xi32, #tpu.memory_space<hbm>>
      %dma_start3A_130 = tpu.memref_slice %arg4[%add3A_126] : memref<327936xi32, #tpu.memory_space<hbm>> -> memref<128xi32, #tpu.memory_space<hbm>>
      tpu.enqueue_dma source(%dma_start3A_130 : memref<128xi32, #tpu.memory_space<hbm>>) target(%arg11 : memref<128xi32, #tpu.memory_space<vmem>>) target_semaphore(%arg19 : memref<!tpu.dma_semaphore, #tpu.memory_space<semaphore_mem>>)
    }
    %while3A_63 = arith.constant 1 : i32
    scf.for %while3A_76 = %while3A_61 to %while3A_57 step %while3A_63  : i32 {
      %mul3A_77 = arith.constant 2 : i32
      %mul3A_78 = arith.muli %mul3A_77, %while3A_76 : i32
      %add3A_79 = arith.constant 0 : i32
      %add3A_80 = arith.addi %mul3A_78, %add3A_79 : i32
      %dma_wait3A_81 = arith.constant 0 : i32
      %dma_wait3A_82 = arith.constant 0 : i32
      %dma_wait3A_83 = tpu.memref_slice %arg2[%dma_wait3A_81, %dma_wait3A_82] : memref<10240x128xf32, #tpu.memory_space<hbm>> -> memref<10240x128xf32, #tpu.memory_space<hbm>>
      tpu.wait_indirect_dma semaphore(%arg14 : memref<!tpu.dma_semaphore, #tpu.memory_space<semaphore_mem>>) src(%dma_wait3A_83 : memref<10240x128xf32, #tpu.memory_space<hbm>>) dst(%arg12 : memref<128x128xf32, #tpu.memory_space<vmem>>)
      %dma_wait3A_84 = arith.constant 0 : i32
      %dma_wait3A_85 = tpu.memref_slice %arg3[%dma_wait3A_84] : memref<327936xi32, #tpu.memory_space<hbm>> -> memref<128xi32, #tpu.memory_space<hbm>>
      %dma_wait3A_86 = arith.constant 0 : i32
      %dma_wait3A_87 = tpu.memref_slice %arg3[%dma_wait3A_86] : memref<327936xi32, #tpu.memory_space<hbm>> -> memref<128xi32, #tpu.memory_space<hbm>>
      tpu.wait_dma2 semaphore(%arg17 : memref<!tpu.dma_semaphore, #tpu.memory_space<semaphore_mem>>) src(%dma_wait3A_87 : memref<128xi32, #tpu.memory_space<hbm>>) dst(%arg9 : memref<128xi32, #tpu.memory_space<vmem>>)
      %dma_wait3A_88 = arith.constant 0 : i32
      %dma_wait3A_89 = tpu.memref_slice %arg4[%dma_wait3A_88] : memref<327936xi32, #tpu.memory_space<hbm>> -> memref<128xi32, #tpu.memory_space<hbm>>
      %dma_wait3A_90 = arith.constant 0 : i32
      %dma_wait3A_91 = tpu.memref_slice %arg4[%dma_wait3A_90] : memref<327936xi32, #tpu.memory_space<hbm>> -> memref<128xi32, #tpu.memory_space<hbm>>
      tpu.wait_dma2 semaphore(%arg19 : memref<!tpu.dma_semaphore, #tpu.memory_space<semaphore_mem>>) src(%dma_wait3A_91 : memref<128xi32, #tpu.memory_space<hbm>>) dst(%arg11 : memref<128xi32, #tpu.memory_space<vmem>>)
      %dma_start3A_92 = arith.constant 0 : i32
      %dma_start3A_93 = arith.constant 0 : i32
      %dma_start3A_94 = tpu.memref_slice %arg2[%dma_start3A_92, %dma_start3A_93] : memref<10240x128xf32, #tpu.memory_space<hbm>> -> memref<10240x128xf32, #tpu.memory_space<hbm>>
      tpu.enqueue_indirect_dma source(%dma_start3A_94 : memref<10240x128xf32, #tpu.memory_space<hbm>>) target(%arg13 : memref<128x128xf32, #tpu.memory_space<vmem>>) offsets(%arg9 : memref<128xi32, #tpu.memory_space<vmem>>) semaphore(%arg15 : memref<!tpu.dma_semaphore, #tpu.memory_space<semaphore_mem>>)
      "tpu.region"() ({
        %run_scoped3A = tpu.sem_alloc : memref<!tpu.dma_semaphore, #tpu.memory_space<semaphore_mem>>
        %dma_start3A_131 = arith.constant 0 : i32
        %dma_start3A_132 = arith.constant 0 : i32
        %dma_start3A_133 = tpu.memref_slice %arg7[%dma_start3A_131, %dma_start3A_132] : memref<10240x128xf32, #tpu.memory_space<vmem_shared>> -> memref<10240x128xf32, #tpu.memory_space<vmem_shared>>
        tpu.enqueue_indirect_dma source(%arg12 : memref<128x128xf32, #tpu.memory_space<vmem>>) target(%dma_start3A_133 : memref<10240x128xf32, #tpu.memory_space<vmem_shared>>) offsets(%arg10 : memref<128xi32, #tpu.memory_space<vmem>>) semaphore(%run_scoped3A : memref<!tpu.dma_semaphore, #tpu.memory_space<semaphore_mem>>) {add = true}
        %dma_wait3A_134 = arith.constant 0 : i32
        %dma_wait3A_135 = arith.constant 0 : i32
        %dma_wait3A_136 = tpu.memref_slice %arg7[%dma_wait3A_134, %dma_wait3A_135] : memref<10240x128xf32, #tpu.memory_space<vmem_shared>> -> memref<10240x128xf32, #tpu.memory_space<vmem_shared>>
        tpu.wait_indirect_dma semaphore(%run_scoped3A : memref<!tpu.dma_semaphore, #tpu.memory_space<semaphore_mem>>) src(%arg12 : memref<128x128xf32, #tpu.memory_space<vmem>>) dst(%dma_wait3A_136 : memref<10240x128xf32, #tpu.memory_space<vmem_shared>>)
        tpu.yield
      }) : () -> ()
      %add3A_95 = arith.constant 2 : i32
      %add3A_96 = arith.addi %add3A_80, %add3A_95 : i32
      %mul3A_97 = arith.constant 128 : i32
      %mul3A_98 = arith.muli %add3A_96, %mul3A_97 : i32
      %add3A_99 = arith.addi %select_n3A, %mul3A_98 : i32
      %dma_start3A_100 = tpu.memref_slice %arg3[%add3A_99] : memref<327936xi32, #tpu.memory_space<hbm>> -> memref<128xi32, #tpu.memory_space<hbm>>
      %dma_start3A_101 = tpu.memref_slice %arg3[%add3A_99] : memref<327936xi32, #tpu.memory_space<hbm>> -> memref<128xi32, #tpu.memory_space<hbm>>
      tpu.enqueue_dma source(%dma_start3A_101 : memref<128xi32, #tpu.memory_space<hbm>>) target(%arg8 : memref<128xi32, #tpu.memory_space<vmem>>) target_semaphore(%arg16 : memref<!tpu.dma_semaphore, #tpu.memory_space<semaphore_mem>>)
      %dma_start3A_102 = tpu.memref_slice %arg4[%add3A_99] : memref<327936xi32, #tpu.memory_space<hbm>> -> memref<128xi32, #tpu.memory_space<hbm>>
      %dma_start3A_103 = tpu.memref_slice %arg4[%add3A_99] : memref<327936xi32, #tpu.memory_space<hbm>> -> memref<128xi32, #tpu.memory_space<hbm>>
      tpu.enqueue_dma source(%dma_start3A_103 : memref<128xi32, #tpu.memory_space<hbm>>) target(%arg10 : memref<128xi32, #tpu.memory_space<vmem>>) target_semaphore(%arg18 : memref<!tpu.dma_semaphore, #tpu.memory_space<semaphore_mem>>)
      %mul3A_104 = arith.constant 2 : i32
      %mul3A_105 = arith.muli %mul3A_104, %while3A_76 : i32
      %add3A_106 = arith.constant 1 : i32
      %add3A_107 = arith.addi %mul3A_105, %add3A_106 : i32
      %dma_wait3A_108 = arith.constant 0 : i32
      %dma_wait3A_109 = arith.constant 0 : i32
      %dma_wait3A_110 = tpu.memref_slice %arg2[%dma_wait3A_108, %dma_wait3A_109] : memref<10240x128xf32, #tpu.memory_space<hbm>> -> memref<10240x128xf32, #tpu.memory_space<hbm>>
      tpu.wait_indirect_dma semaphore(%arg15 : memref<!tpu.dma_semaphore, #tpu.memory_space<semaphore_mem>>) src(%dma_wait3A_110 : memref<10240x128xf32, #tpu.memory_space<hbm>>) dst(%arg13 : memref<128x128xf32, #tpu.memory_space<vmem>>)
      %dma_wait3A_111 = arith.constant 0 : i32
      %dma_wait3A_112 = tpu.memref_slice %arg3[%dma_wait3A_111] : memref<327936xi32, #tpu.memory_space<hbm>> -> memref<128xi32, #tpu.memory_space<hbm>>
      %dma_wait3A_113 = arith.constant 0 : i32
      %dma_wait3A_114 = tpu.memref_slice %arg3[%dma_wait3A_113] : memref<327936xi32, #tpu.memory_space<hbm>> -> memref<128xi32, #tpu.memory_space<hbm>>
      tpu.wait_dma2 semaphore(%arg16 : memref<!tpu.dma_semaphore, #tpu.memory_space<semaphore_mem>>) src(%dma_wait3A_114 : memref<128xi32, #tpu.memory_space<hbm>>) dst(%arg8 : memref<128xi32, #tpu.memory_space<vmem>>)
      %dma_wait3A_115 = arith.constant 0 : i32
      %dma_wait3A_116 = tpu.memref_slice %arg4[%dma_wait3A_115] : memref<327936xi32, #tpu.memory_space<hbm>> -> memref<128xi32, #tpu.memory_space<hbm>>
      %dma_wait3A_117 = arith.constant 0 : i32
      %dma_wait3A_118 = tpu.memref_slice %arg4[%dma_wait3A_117] : memref<327936xi32, #tpu.memory_space<hbm>> -> memref<128xi32, #tpu.memory_space<hbm>>
      tpu.wait_dma2 semaphore(%arg18 : memref<!tpu.dma_semaphore, #tpu.memory_space<semaphore_mem>>) src(%dma_wait3A_118 : memref<128xi32, #tpu.memory_space<hbm>>) dst(%arg10 : memref<128xi32, #tpu.memory_space<vmem>>)
      %dma_start3A_119 = arith.constant 0 : i32
      %dma_start3A_120 = arith.constant 0 : i32
      %dma_start3A_121 = tpu.memref_slice %arg2[%dma_start3A_119, %dma_start3A_120] : memref<10240x128xf32, #tpu.memory_space<hbm>> -> memref<10240x128xf32, #tpu.memory_space<hbm>>
      tpu.enqueue_indirect_dma source(%dma_start3A_121 : memref<10240x128xf32, #tpu.memory_space<hbm>>) target(%arg12 : memref<128x128xf32, #tpu.memory_space<vmem>>) offsets(%arg8 : memref<128xi32, #tpu.memory_space<vmem>>) semaphore(%arg14 : memref<!tpu.dma_semaphore, #tpu.memory_space<semaphore_mem>>)
      "tpu.region"() ({
        %run_scoped3A = tpu.sem_alloc : memref<!tpu.dma_semaphore, #tpu.memory_space<semaphore_mem>>
        %dma_start3A_131 = arith.constant 0 : i32
        %dma_start3A_132 = arith.constant 0 : i32
        %dma_start3A_133 = tpu.memref_slice %arg7[%dma_start3A_131, %dma_start3A_132] : memref<10240x128xf32, #tpu.memory_space<vmem_shared>> -> memref<10240x128xf32, #tpu.memory_space<vmem_shared>>
        tpu.enqueue_indirect_dma source(%arg13 : memref<128x128xf32, #tpu.memory_space<vmem>>) target(%dma_start3A_133 : memref<10240x128xf32, #tpu.memory_space<vmem_shared>>) offsets(%arg11 : memref<128xi32, #tpu.memory_space<vmem>>) semaphore(%run_scoped3A : memref<!tpu.dma_semaphore, #tpu.memory_space<semaphore_mem>>) {add = true}
        %dma_wait3A_134 = arith.constant 0 : i32
        %dma_wait3A_135 = arith.constant 0 : i32
        %dma_wait3A_136 = tpu.memref_slice %arg7[%dma_wait3A_134, %dma_wait3A_135] : memref<10240x128xf32, #tpu.memory_space<vmem_shared>> -> memref<10240x128xf32, #tpu.memory_space<vmem_shared>>
        tpu.wait_indirect_dma semaphore(%run_scoped3A : memref<!tpu.dma_semaphore, #tpu.memory_space<semaphore_mem>>) src(%arg13 : memref<128x128xf32, #tpu.memory_space<vmem>>) dst(%dma_wait3A_136 : memref<10240x128xf32, #tpu.memory_space<vmem_shared>>)
        tpu.yield
      }) : () -> ()
      %add3A_122 = arith.constant 2 : i32
      %add3A_123 = arith.addi %add3A_107, %add3A_122 : i32
      %mul3A_124 = arith.constant 128 : i32
      %mul3A_125 = arith.muli %add3A_123, %mul3A_124 : i32
      %add3A_126 = arith.addi %select_n3A, %mul3A_125 : i32
      %dma_start3A_127 = tpu.memref_slice %arg3[%add3A_126] : memref<327936xi32, #tpu.memory_space<hbm>> -> memref<128xi32, #tpu.memory_space<hbm>>
      %dma_start3A_128 = tpu.memref_slice %arg3[%add3A_126] : memref<327936xi32, #tpu.memory_space<hbm>> -> memref<128xi32, #tpu.memory_space<hbm>>
      tpu.enqueue_dma source(%dma_start3A_128 : memref<128xi32, #tpu.memory_space<hbm>>) target(%arg9 : memref<128xi32, #tpu.memory_space<vmem>>) target_semaphore(%arg17 : memref<!tpu.dma_semaphore, #tpu.memory_space<semaphore_mem>>)
      %dma_start3A_129 = tpu.memref_slice %arg4[%add3A_126] : memref<327936xi32, #tpu.memory_space<hbm>> -> memref<128xi32, #tpu.memory_space<hbm>>
      %dma_start3A_130 = tpu.memref_slice %arg4[%add3A_126] : memref<327936xi32, #tpu.memory_space<hbm>> -> memref<128xi32, #tpu.memory_space<hbm>>
      tpu.enqueue_dma source(%dma_start3A_130 : memref<128xi32, #tpu.memory_space<hbm>>) target(%arg11 : memref<128xi32, #tpu.memory_space<vmem>>) target_semaphore(%arg19 : memref<!tpu.dma_semaphore, #tpu.memory_space<semaphore_mem>>)
    }
    %dma_wait3A_64 = arith.constant 0 : i32
    %dma_wait3A_65 = arith.constant 0 : i32
    %dma_wait3A_66 = tpu.memref_slice %arg2[%dma_wait3A_64, %dma_wait3A_65] : memref<10240x128xf32, #tpu.memory_space<hbm>> -> memref<10240x128xf32, #tpu.memory_space<hbm>>
    tpu.wait_indirect_dma semaphore(%arg14 : memref<!tpu.dma_semaphore, #tpu.memory_space<semaphore_mem>>) src(%dma_wait3A_66 : memref<10240x128xf32, #tpu.memory_space<hbm>>) dst(%arg12 : memref<128x128xf32, #tpu.memory_space<vmem>>)
    %dma_wait3A_67 = arith.constant 0 : i32
    %dma_wait3A_68 = tpu.memref_slice %arg3[%dma_wait3A_67] : memref<327936xi32, #tpu.memory_space<hbm>> -> memref<128xi32, #tpu.memory_space<hbm>>
    %dma_wait3A_69 = arith.constant 0 : i32
    %dma_wait3A_70 = tpu.memref_slice %arg3[%dma_wait3A_69] : memref<327936xi32, #tpu.memory_space<hbm>> -> memref<128xi32, #tpu.memory_space<hbm>>
    tpu.wait_dma2 semaphore(%arg17 : memref<!tpu.dma_semaphore, #tpu.memory_space<semaphore_mem>>) src(%dma_wait3A_70 : memref<128xi32, #tpu.memory_space<hbm>>) dst(%arg9 : memref<128xi32, #tpu.memory_space<vmem>>)
    %dma_wait3A_71 = arith.constant 0 : i32
    %dma_wait3A_72 = tpu.memref_slice %arg4[%dma_wait3A_71] : memref<327936xi32, #tpu.memory_space<hbm>> -> memref<128xi32, #tpu.memory_space<hbm>>
    %dma_wait3A_73 = arith.constant 0 : i32
    %dma_wait3A_74 = tpu.memref_slice %arg4[%dma_wait3A_73] : memref<327936xi32, #tpu.memory_space<hbm>> -> memref<128xi32, #tpu.memory_space<hbm>>
    tpu.wait_dma2 semaphore(%arg19 : memref<!tpu.dma_semaphore, #tpu.memory_space<semaphore_mem>>) src(%dma_wait3A_74 : memref<128xi32, #tpu.memory_space<hbm>>) dst(%arg11 : memref<128xi32, #tpu.memory_space<vmem>>)
    %barrier3A_75 = arith.constant 0 : index
    tpu.barrier barrier_id(%barrier3A_75)
    "tpu.region"() ({
      %run_scoped3A = tpu.sem_alloc : memref<!tpu.dma_semaphore, #tpu.memory_space<semaphore_mem>>
      %dma_start3A_76 = arith.constant 0 : i32
      %dma_start3A_77 = tpu.memref_slice %arg6[%arg0, %mul3A_0, %dma_start3A_76] : memref<2x10240x128xf32, #tpu.memory_space<hbm>> -> memref<1x640x128xf32, #tpu.memory_space<hbm>>
      %dma_start3A_78 = tpu.memref_squeeze %dma_start3A_77 : memref<1x640x128xf32, #tpu.memory_space<hbm>> -> memref<640x128xf32, #tpu.memory_space<hbm>>
      %dma_start3A_79 = arith.constant 0 : i32
      %dma_start3A_80 = tpu.memref_slice %arg7[%mul3A_0, %dma_start3A_79] : memref<10240x128xf32, #tpu.memory_space<vmem_shared>> -> memref<640x128xf32, #tpu.memory_space<vmem_shared>>
      tpu.enqueue_dma source(%dma_start3A_80 : memref<640x128xf32, #tpu.memory_space<vmem_shared>>) target(%dma_start3A_78 : memref<640x128xf32, #tpu.memory_space<hbm>>) target_semaphore(%run_scoped3A : memref<!tpu.dma_semaphore, #tpu.memory_space<semaphore_mem>>)
      %dma_wait3A_81 = arith.constant 0 : i32
      %dma_wait3A_82 = tpu.memref_slice %arg6[%arg0, %mul3A_0, %dma_wait3A_81] : memref<2x10240x128xf32, #tpu.memory_space<hbm>> -> memref<1x640x128xf32, #tpu.memory_space<hbm>>
      %dma_wait3A_83 = tpu.memref_squeeze %dma_wait3A_82 : memref<1x640x128xf32, #tpu.memory_space<hbm>> -> memref<640x128xf32, #tpu.memory_space<hbm>>
      %dma_wait3A_84 = arith.constant 0 : i32
      %dma_wait3A_85 = tpu.memref_slice %arg7[%mul3A_0, %dma_wait3A_84] : memref<10240x128xf32, #tpu.memory_space<vmem_shared>> -> memref<640x128xf32, #tpu.memory_space<vmem_shared>>
      tpu.wait_dma2 semaphore(%run_scoped3A : memref<!tpu.dma_semaphore, #tpu.memory_space<semaphore_mem>>) src(%dma_wait3A_85 : memref<640x128xf32, #tpu.memory_space<vmem_shared>>) dst(%dma_wait3A_83 : memref<640x128xf32, #tpu.memory_space<hbm>>)
      tpu.yield
    }) : () -> ()
    return
  }
}

module attributes {stable_mosaic.version = 14 : i64} {
  func.func @_dense_body(%arg0: i32, %arg1: memref<256x128xf32, #tpu.memory_space<vmem>>, %arg2: memref<2x256x128xf32, #tpu.memory_space<vmem>>, %arg3: memref<256x128xf32, #tpu.memory_space<vmem>>, %arg4: memref<2x256x128xf32, #tpu.memory_space<vmem>>, %arg5: memref<128x128xf32, #tpu.memory_space<vmem>>, %arg6: memref<128x128xf32, #tpu.memory_space<vmem>>, %arg7: memref<1x128xf32, #tpu.memory_space<vmem>>, %arg8: memref<128x128xf32, #tpu.memory_space<vmem>>, %arg9: memref<128x128xf32, #tpu.memory_space<vmem>>, %arg10: memref<1x128xf32, #tpu.memory_space<vmem>>, %arg11: memref<144x10xf32, #tpu.memory_space<vmem>>, %arg12: memref<1x16xf32, #tpu.memory_space<vmem>>, %arg13: memref<1x10xf32, #tpu.memory_space<vmem>>, %arg14: memref<1x10xf32, #tpu.memory_space<vmem>>, %arg15: memref<1x128xf32, #tpu.memory_space<vmem>>, %arg16: memref<1x128xf32, #tpu.memory_space<vmem>>) attributes {dimension_semantics = [#tpu.dimension_semantics<arbitrary>], iteration_bounds = array<i64: 40>, scalar_prefetch = 0 : i64, scratch_operands = 2 : i64, tpu.core_type = #tpu.core_type<tc>, window_params = [{transform_indices = @transform_0, window_bounds = array<i64: 256, 128>}, {transform_indices = @transform_1, window_bounds = array<i64: 2, 256, 128>}, {transform_indices = @transform_2, window_bounds = array<i64: 256, 128>}, {transform_indices = @transform_3, window_bounds = array<i64: 2, 256, 128>}, {pipeline_mode = #tpu.pipeline_mode<synchronous>, transform_indices = @transform_4, window_bounds = array<i64: 128, 128>}, {pipeline_mode = #tpu.pipeline_mode<synchronous>, transform_indices = @transform_5, window_bounds = array<i64: 128, 128>}, {pipeline_mode = #tpu.pipeline_mode<synchronous>, transform_indices = @transform_6, window_bounds = array<i64: 1, 128>}, {pipeline_mode = #tpu.pipeline_mode<synchronous>, transform_indices = @transform_7, window_bounds = array<i64: 128, 128>}, {pipeline_mode = #tpu.pipeline_mode<synchronous>, transform_indices = @transform_8, window_bounds = array<i64: 128, 128>}, {pipeline_mode = #tpu.pipeline_mode<synchronous>, transform_indices = @transform_9, window_bounds = array<i64: 1, 128>}, {pipeline_mode = #tpu.pipeline_mode<synchronous>, transform_indices = @transform_10, window_bounds = array<i64: 144, 10>}, {pipeline_mode = #tpu.pipeline_mode<synchronous>, transform_indices = @transform_11, window_bounds = array<i64: 1, 16>}, {pipeline_mode = #tpu.pipeline_mode<synchronous>, transform_indices = @transform_12, window_bounds = array<i64: 1, 10>}, {pipeline_mode = #tpu.pipeline_mode<synchronous>, transform_indices = @transform_13, window_bounds = array<i64: 1, 10>}]} {
    %eq3A = arith.constant 0 : i32
    %eq3A_0 = arith.cmpi eq, %arg0, %eq3A : i32
    %convert_element_type3A = arith.extui %eq3A_0 : i1 to i32
    %cond3A = arith.constant 0 : i32
    %cond3A_1 = arith.cmpi ne, %convert_element_type3A, %cond3A : i32
    scf.if %cond3A_1 {
      %broadcast_in_dim3A_81 = arith.constant 0.000000e+00 : f32
      %broadcast_in_dim3A_82 = vector.broadcast %broadcast_in_dim3A_81 : f32 to vector<1x128xf32>
      %swap3A_83 = arith.constant 0 : index
      %swap3A_84 = arith.constant 0 : index
      %swap3A_85 = vector.load %arg15[%swap3A_83, %swap3A_84] : memref<1x128xf32, #tpu.memory_space<vmem>>, vector<1x128xf32>
      tpu.vector_store %arg15[%swap3A_83, %swap3A_84], %broadcast_in_dim3A_82 {strides = array<i32>} : memref<1x128xf32, #tpu.memory_space<vmem>>, vector<1x128xf32>,
      %broadcast_in_dim3A_86 = arith.constant 0.000000e+00 : f32
      %broadcast_in_dim3A_87 = vector.broadcast %broadcast_in_dim3A_86 : f32 to vector<1x128xf32>
      %swap3A_88 = arith.constant 0 : index
      %swap3A_89 = arith.constant 0 : index
      %swap3A_90 = vector.load %arg16[%swap3A_88, %swap3A_89] : memref<1x128xf32, #tpu.memory_space<vmem>>, vector<1x128xf32>
      tpu.vector_store %arg16[%swap3A_88, %swap3A_89], %broadcast_in_dim3A_87 {strides = array<i32>} : memref<1x128xf32, #tpu.memory_space<vmem>>, vector<1x128xf32>,
    } else {
    }
    %get3A = arith.constant 0 : index
    %get3A_2 = arith.constant 0 : index
    %get3A_3 = arith.constant 0 : index
    %get3A_4 = vector.load %arg2[%get3A, %get3A_2, %get3A_3] : memref<2x256x128xf32, #tpu.memory_space<vmem>>, vector<1x256x128xf32>
    %get3A_5 = vector.shape_cast %get3A_4 : vector<1x256x128xf32> to vector<256x128xf32>
    %get3A_6 = arith.constant 1 : index
    %get3A_7 = arith.constant 0 : index
    %get3A_8 = arith.constant 0 : index
    %get3A_9 = vector.load %arg2[%get3A_6, %get3A_7, %get3A_8] : memref<2x256x128xf32, #tpu.memory_space<vmem>>, vector<1x256x128xf32>
    %get3A_10 = vector.shape_cast %get3A_9 : vector<1x256x128xf32> to vector<256x128xf32>
    %add3A = arith.addf %get3A_5, %get3A_10 : vector<256x128xf32>
    %get3A_11 = arith.constant 0 : index
    %get3A_12 = arith.constant 0 : index
    %get3A_13 = vector.load %arg3[%get3A_11, %get3A_12] : memref<256x128xf32, #tpu.memory_space<vmem>>, vector<256x1xf32>
    %mul3A = vector.broadcast %get3A_13 : vector<256x1xf32> to vector<256x128xf32>
    %mul3A_14 = arith.mulf %add3A, %mul3A : vector<256x128xf32>
    %get3A_15 = arith.constant 0 : index
    %get3A_16 = arith.constant 0 : index
    %get3A_17 = vector.load %arg1[%get3A_15, %get3A_16] : memref<256x128xf32, #tpu.memory_space<vmem>>, vector<256x128xf32>
    %get3A_18 = arith.constant 0 : index
    %get3A_19 = arith.constant 0 : index
    %get3A_20 = vector.load %arg5[%get3A_18, %get3A_19] : memref<128x128xf32, #tpu.memory_space<vmem>>, vector<128x128xf32>
    %dot_general3A = arith.constant dense<0.000000e+00> : vector<256x128xf32>
    %dot_general3A_21 = tpu.matmul %get3A_17, %get3A_20, %dot_general3A {dimension_numbers = #tpu.dot_dimension_numbers<[1], [0], [0], [1], [0, 0, 1, 1], [], []>, transpose_lhs_hint = false} : vector<256x128xf32>, vector<128x128xf32>, vector<256x128xf32> -> vector<256x128xf32>
    %get3A_22 = arith.constant 0 : index
    %get3A_23 = arith.constant 0 : index
    %get3A_24 = vector.load %arg6[%get3A_22, %get3A_23] : memref<128x128xf32, #tpu.memory_space<vmem>>, vector<128x128xf32>
    %dot_general3A_25 = arith.constant dense<0.000000e+00> : vector<256x128xf32>
    %dot_general3A_26 = tpu.matmul %mul3A_14, %get3A_24, %dot_general3A_25 {dimension_numbers = #tpu.dot_dimension_numbers<[1], [0], [0], [1], [0, 0, 1, 1], [], []>, transpose_lhs_hint = false} : vector<256x128xf32>, vector<128x128xf32>, vector<256x128xf32> -> vector<256x128xf32>
    %add3A_27 = arith.addf %dot_general3A_21, %dot_general3A_26 : vector<256x128xf32>
    %get3A_28 = arith.constant 0 : index
    %get3A_29 = arith.constant 0 : index
    %get3A_30 = vector.load %arg7[%get3A_28, %get3A_29] : memref<1x128xf32, #tpu.memory_space<vmem>>, vector<1x128xf32>
    %add3A_31 = vector.broadcast %get3A_30 : vector<1x128xf32> to vector<256x128xf32>
    %add3A_32 = arith.addf %add3A_27, %add3A_31 : vector<256x128xf32>
    %max3A = arith.constant 0.000000e+00 : f32
    %max3A_33 = vector.broadcast %max3A : f32 to vector<256x128xf32>
    %max3A_34 = arith.maximumf %add3A_32, %max3A_33 : vector<256x128xf32>
    %mul3A_35 = arith.constant 256 : i32
    %mul3A_36 = arith.muli %arg0, %mul3A_35 : i32
    %iota3A = tpu.iota {dimensions = array<i32: 0>} : vector<256x1xi32>
    %add3A_37 = vector.broadcast %mul3A_36 : i32 to vector<256x1xi32>
    %add3A_38 = arith.addi %add3A_37, %iota3A : vector<256x1xi32>
    %lt3A = arith.constant 10000 : i32
    %lt3A_39 = vector.broadcast %lt3A : i32 to vector<256x1xi32>
    %lt3A_40 = arith.cmpi slt, %add3A_38, %lt3A_39 : vector<256x1xi32>
    %convert_element_type3A_41 = arith.extui %lt3A_40 : vector<256x1xi1> to vector<256x1xi32>
    %convert_element_type3A_42 = arith.sitofp %convert_element_type3A_41 : vector<256x1xi32> to vector<256x1xf32>
    %get3A_43 = arith.constant 0 : index
    %get3A_44 = arith.constant 0 : index
    %get3A_45 = vector.load %arg15[%get3A_43, %get3A_44] : memref<1x128xf32, #tpu.memory_space<vmem>>, vector<1x128xf32>
    %mul3A_46 = vector.broadcast %convert_element_type3A_42 : vector<256x1xf32> to vector<256x128xf32>
    %mul3A_47 = arith.mulf %max3A_34, %mul3A_46 : vector<256x128xf32>
    %reduce_sum3A = arith.constant dense<0.000000e+00> : vector<128xf32>
    %reduce_sum3A_48 = vector.multi_reduction <add>, %mul3A_47, %reduce_sum3A [0] : vector<256x128xf32> to vector<128xf32>
    %broadcast_in_dim3A = vector.shape_cast %reduce_sum3A_48 : vector<128xf32> to vector<1x128xf32>
    %add3A_49 = arith.addf %get3A_45, %broadcast_in_dim3A : vector<1x128xf32>
    %swap3A = arith.constant 0 : index
    %swap3A_50 = arith.constant 0 : index
    %swap3A_51 = vector.load %arg15[%swap3A, %swap3A_50] : memref<1x128xf32, #tpu.memory_space<vmem>>, vector<1x128xf32>
    tpu.vector_store %arg15[%swap3A, %swap3A_50], %add3A_49 {strides = array<i32>} : memref<1x128xf32, #tpu.memory_space<vmem>>, vector<1x128xf32>,
    %get3A_52 = arith.constant 0 : index
    %get3A_53 = arith.constant 0 : index
    %get3A_54 = arith.constant 0 : index
    %get3A_55 = vector.load %arg4[%get3A_52, %get3A_53, %get3A_54] : memref<2x256x128xf32, #tpu.memory_space<vmem>>, vector<1x256x1xf32>
    %get3A_56 = vector.shape_cast %get3A_55 : vector<1x256x1xf32> to vector<256x1xf32>
    %get3A_57 = arith.constant 1 : index
    %get3A_58 = arith.constant 0 : index
    %get3A_59 = arith.constant 0 : index
    %get3A_60 = vector.load %arg4[%get3A_57, %get3A_58, %get3A_59] : memref<2x256x128xf32, #tpu.memory_space<vmem>>, vector<1x256x1xf32>
    %get3A_61 = vector.shape_cast %get3A_60 : vector<1x256x1xf32> to vector<256x1xf32>
    %add3A_62 = arith.addf %get3A_56, %get3A_61 : vector<256x1xf32>
    %mul3A_63 = arith.mulf %add3A_62, %convert_element_type3A_42 : vector<256x1xf32>
    %get3A_64 = arith.constant 0 : index
    %get3A_65 = arith.constant 0 : index
    %get3A_66 = vector.load %arg16[%get3A_64, %get3A_65] : memref<1x128xf32, #tpu.memory_space<vmem>>, vector<1x128xf32>
    %mul3A_67 = vector.broadcast %mul3A_63 : vector<256x1xf32> to vector<256x128xf32>
    %mul3A_68 = arith.mulf %max3A_34, %mul3A_67 : vector<256x128xf32>
    %reduce_sum3A_69 = arith.constant dense<0.000000e+00> : vector<128xf32>
    %reduce_sum3A_70 = vector.multi_reduction <add>, %mul3A_68, %reduce_sum3A_69 [0] : vector<256x128xf32> to vector<128xf32>
    %broadcast_in_dim3A_71 = vector.shape_cast %reduce_sum3A_70 : vector<128xf32> to vector<1x128xf32>
    %add3A_72 = arith.addf %get3A_66, %broadcast_in_dim3A_71 : vector<1x128xf32>
    %swap3A_73 = arith.constant 0 : index
    %swap3A_74 = arith.constant 0 : index
    %swap3A_75 = vector.load %arg16[%swap3A_73, %swap3A_74] : memref<1x128xf32, #tpu.memory_space<vmem>>, vector<1x128xf32>
    tpu.vector_store %arg16[%swap3A_73, %swap3A_74], %add3A_72 {strides = array<i32>} : memref<1x128xf32, #tpu.memory_space<vmem>>, vector<1x128xf32>,
    %eq3A_76 = arith.constant 39 : i32
    %eq3A_77 = arith.cmpi eq, %arg0, %eq3A_76 : i32
    %convert_element_type3A_78 = arith.extui %eq3A_77 : i1 to i32
    %cond3A_79 = arith.constant 0 : i32
    %cond3A_80 = arith.cmpi ne, %convert_element_type3A_78, %cond3A_79 : i32
    scf.if %cond3A_80 {
      %get3A_81 = arith.constant 0 : index
      %get3A_82 = arith.constant 0 : index
      %get3A_83 = vector.load %arg15[%get3A_81, %get3A_82] : memref<1x128xf32, #tpu.memory_space<vmem>>, vector<1x128xf32>
      %mul3A_84 = arith.constant 9.99999974E-5 : f32
      %mul3A_85 = vector.broadcast %mul3A_84 : f32 to vector<1x128xf32>
      %mul3A_86 = arith.mulf %get3A_83, %mul3A_85 : vector<1x128xf32>
      %get3A_87 = arith.constant 0 : index
      %get3A_88 = arith.constant 0 : index
      %get3A_89 = vector.load %arg16[%get3A_87, %get3A_88] : memref<1x128xf32, #tpu.memory_space<vmem>>, vector<1x128xf32>
      %mul3A_90 = arith.constant 9.99999974E-5 : f32
      %mul3A_91 = vector.broadcast %mul3A_90 : f32 to vector<1x128xf32>
      %mul3A_92 = arith.mulf %get3A_89, %mul3A_91 : vector<1x128xf32>
      %get3A_93 = arith.constant 0 : index
      %get3A_94 = arith.constant 0 : index
      %get3A_95 = vector.load %arg8[%get3A_93, %get3A_94] : memref<128x128xf32, #tpu.memory_space<vmem>>, vector<128x128xf32>
      %dot_general3A_96 = arith.constant dense<0.000000e+00> : vector<1x128xf32>
      %dot_general3A_97 = tpu.matmul %mul3A_86, %get3A_95, %dot_general3A_96 {dimension_numbers = #tpu.dot_dimension_numbers<[1], [0], [0], [1], [0, 0, 1, 1], [], []>, transpose_lhs_hint = false} : vector<1x128xf32>, vector<128x128xf32>, vector<1x128xf32> -> vector<1x128xf32>
      %get3A_98 = arith.constant 0 : index
      %get3A_99 = arith.constant 0 : index
      %get3A_100 = vector.load %arg9[%get3A_98, %get3A_99] : memref<128x128xf32, #tpu.memory_space<vmem>>, vector<128x128xf32>
      %dot_general3A_101 = arith.constant dense<0.000000e+00> : vector<1x128xf32>
      %dot_general3A_102 = tpu.matmul %mul3A_92, %get3A_100, %dot_general3A_101 {dimension_numbers = #tpu.dot_dimension_numbers<[1], [0], [0], [1], [0, 0, 1, 1], [], []>, transpose_lhs_hint = false} : vector<1x128xf32>, vector<128x128xf32>, vector<1x128xf32> -> vector<1x128xf32>
      %add3A_103 = arith.addf %dot_general3A_97, %dot_general3A_102 : vector<1x128xf32>
      %get3A_104 = arith.constant 0 : index
      %get3A_105 = arith.constant 0 : index
      %get3A_106 = vector.load %arg10[%get3A_104, %get3A_105] : memref<1x128xf32, #tpu.memory_space<vmem>>, vector<1x128xf32>
      %add3A_107 = arith.addf %add3A_103, %get3A_106 : vector<1x128xf32>
      %get3A_108 = arith.constant 0 : index
      %get3A_109 = arith.constant 0 : index
      %get3A_110 = vector.load %arg11[%get3A_108, %get3A_109] : memref<144x10xf32, #tpu.memory_space<vmem>>, vector<128x10xf32>
      %dot_general3A_111 = arith.constant dense<0.000000e+00> : vector<1x10xf32>
      %dot_general3A_112 = tpu.matmul %add3A_107, %get3A_110, %dot_general3A_111 {dimension_numbers = #tpu.dot_dimension_numbers<[1], [0], [0], [1], [0, 0, 1, 1], [], []>, transpose_lhs_hint = false} : vector<1x128xf32>, vector<128x10xf32>, vector<1x10xf32> -> vector<1x10xf32>
      %get3A_113 = arith.constant 0 : index
      %get3A_114 = arith.constant 0 : index
      %get3A_115 = vector.load %arg12[%get3A_113, %get3A_114] : memref<1x16xf32, #tpu.memory_space<vmem>>, vector<1x16xf32>
      %get3A_116 = arith.constant 128 : index
      %get3A_117 = arith.constant 0 : index
      %get3A_118 = vector.load %arg11[%get3A_116, %get3A_117] : memref<144x10xf32, #tpu.memory_space<vmem>>, vector<16x10xf32>
      %dot_general3A_119 = arith.constant dense<0.000000e+00> : vector<1x10xf32>
      %dot_general3A_120 = tpu.matmul %get3A_115, %get3A_118, %dot_general3A_119 {dimension_numbers = #tpu.dot_dimension_numbers<[1], [0], [0], [1], [0, 0, 1, 1], [], []>, transpose_lhs_hint = false} : vector<1x16xf32>, vector<16x10xf32>, vector<1x10xf32> -> vector<1x10xf32>
      %add3A_121 = arith.addf %dot_general3A_112, %dot_general3A_120 : vector<1x10xf32>
      %get3A_122 = arith.constant 0 : index
      %get3A_123 = arith.constant 0 : index
      %get3A_124 = vector.load %arg13[%get3A_122, %get3A_123] : memref<1x10xf32, #tpu.memory_space<vmem>>, vector<1x10xf32>
      %add3A_125 = arith.addf %add3A_121, %get3A_124 : vector<1x10xf32>
      %swap3A_126 = arith.constant 0 : index
      %swap3A_127 = arith.constant 0 : index
      %swap3A_128 = vector.load %arg14[%swap3A_126, %swap3A_127] : memref<1x10xf32, #tpu.memory_space<vmem>>, vector<1x10xf32>
      tpu.vector_store %arg14[%swap3A_126, %swap3A_127], %add3A_125 {strides = array<i32>} : memref<1x10xf32, #tpu.memory_space<vmem>>, vector<1x10xf32>,
    } else {
    }
    return
  }
  func.func @transform_0(%arg0: i32) -> (i32, i32) {
    %c0_i32 = arith.constant 0 : i32
    %c0_i32_0 = arith.constant 0 : i32
    return %arg0, %c0_i32 : i32, i32
  }
  func.func @transform_1(%arg0: i32) -> (i32, i32, i32) {
    %c0_i32 = arith.constant 0 : i32
    %c0_i32_0 = arith.constant 0 : i32
    %c0_i32_1 = arith.constant 0 : i32
    return %c0_i32, %arg0, %c0_i32_0 : i32, i32, i32
  }
  func.func @transform_2(%arg0: i32) -> (i32, i32) {
    %c0_i32 = arith.constant 0 : i32
    %c0_i32_0 = arith.constant 0 : i32
    return %arg0, %c0_i32 : i32, i32
  }
  func.func @transform_3(%arg0: i32) -> (i32, i32, i32) {
    %c0_i32 = arith.constant 0 : i32
    %c0_i32_0 = arith.constant 0 : i32
    %c0_i32_1 = arith.constant 0 : i32
    return %c0_i32, %arg0, %c0_i32_0 : i32, i32, i32
  }
  func.func @transform_4(%arg0: i32) -> (i32, i32) {
    %c0_i32 = arith.constant 0 : i32
    %c0_i32_0 = arith.constant 0 : i32
    %c0_i32_1 = arith.constant 0 : i32
    return %c0_i32, %c0_i32_0 : i32, i32
  }
  func.func @transform_5(%arg0: i32) -> (i32, i32) {
    %c0_i32 = arith.constant 0 : i32
    %c0_i32_0 = arith.constant 0 : i32
    %c0_i32_1 = arith.constant 0 : i32
    return %c0_i32, %c0_i32_0 : i32, i32
  }
  func.func @transform_6(%arg0: i32) -> (i32, i32) {
    %c0_i32 = arith.constant 0 : i32
    %c0_i32_0 = arith.constant 0 : i32
    %c0_i32_1 = arith.constant 0 : i32
    return %c0_i32, %c0_i32_0 : i32, i32
  }
  func.func @transform_7(%arg0: i32) -> (i32, i32) {
    %c0_i32 = arith.constant 0 : i32
    %c0_i32_0 = arith.constant 0 : i32
    %c0_i32_1 = arith.constant 0 : i32
    return %c0_i32, %c0_i32_0 : i32, i32
  }
  func.func @transform_8(%arg0: i32) -> (i32, i32) {
    %c0_i32 = arith.constant 0 : i32
    %c0_i32_0 = arith.constant 0 : i32
    %c0_i32_1 = arith.constant 0 : i32
    return %c0_i32, %c0_i32_0 : i32, i32
  }
  func.func @transform_9(%arg0: i32) -> (i32, i32) {
    %c0_i32 = arith.constant 0 : i32
    %c0_i32_0 = arith.constant 0 : i32
    %c0_i32_1 = arith.constant 0 : i32
    return %c0_i32, %c0_i32_0 : i32, i32
  }
  func.func @transform_10(%arg0: i32) -> (i32, i32) {
    %c0_i32 = arith.constant 0 : i32
    %c0_i32_0 = arith.constant 0 : i32
    %c0_i32_1 = arith.constant 0 : i32
    return %c0_i32, %c0_i32_0 : i32, i32
  }
  func.func @transform_11(%arg0: i32) -> (i32, i32) {
    %c0_i32 = arith.constant 0 : i32
    %c0_i32_0 = arith.constant 0 : i32
    %c0_i32_1 = arith.constant 0 : i32
    return %c0_i32, %c0_i32_0 : i32, i32
  }
  func.func @transform_12(%arg0: i32) -> (i32, i32) {
    %c0_i32 = arith.constant 0 : i32
    %c0_i32_0 = arith.constant 0 : i32
    %c0_i32_1 = arith.constant 0 : i32
    return %c0_i32, %c0_i32_0 : i32, i32
  }
  func.func @transform_13(%arg0: i32) -> (i32, i32) {
    %c0_i32 = arith.constant 0 : i32
    %c0_i32_0 = arith.constant 0 : i32
    %c0_i32_1 = arith.constant 0 : i32
    return %c0_i32, %c0_i32_0 : i32, i32
  }
}

</mosaic_0001>

<sc_bundles>
// kernel: kernel.12.cloned.1.call-start
scs
__scs_entry_jumppad:
0x0: {  	(pc) =	sbr.rel $0x88, $3  }
0x1: {  	(tag) =	ssettag $0x0;
	lr =	simm.s32 $0x1  }
0x2: {  	[smem:$0x3F96] =	sst lr;
	_ =	strace $0xD0000000  }
0x3: {  	_ = 	snop  }
0x4: {  	_ = 	snop  }
0x5: {  	_ = 	snop  }
0x6: {  	_ = 	snop  }
0x7: {  	_ = 	snop  }
__scs_overlays_trampoline_lowered:
0x8: {  	[smem:$0x3FA5] =	sst s0  }
0x9: {  	[smem:$0x3FA6] =	sst s1  }
0xa: {  	[smem:$0x3FA7] =	sst s2  }
0xb: {  	[smem:$0x3FA8] =	sst s3  }
0xc: {  	[smem:$0x3FA9] =	sst s4  }
0xd: {  	[smem:$0x3FAA] =	sst s5  }
0xe: {  	[smem:$0x3FAB] =	sst s6  }
0xf: {  	[smem:$0x3FAC] =	sst s7  }
0x10: {  	[smem:$0x3FAD] =	sst s8  }
0x11: {  	[smem:$0x3FAE] =	sst s9;
	s0 =	simm.s32 @!p0 $0x0  }
0x12: {  	s1 =	sld [smem:$0x3F94];
	s0 =	simm.s32 @p0 $0x1  }
0x13: {  	[smem:$0x3FAF] =	sst s0;
	s0 =	simm.s32 @!p1 $0x0  }
0x14: {  	s2 =	sld [smem:$0x3F93];
	s0 =	simm.s32 @p1 $0x1  }
0x15: {  	[smem:$0x3FB0] =	sst s0;
	s0 =	simm.s32 @!p2 $0x0  }
0x16: {  	s3 =	sld [smem:$0x3FDB];
	s0 =	simm.s32 @p2 $0x1  }
0x17: {  	s4 =	simm.s32 $0x1BF5;
	[smem:$0x3FB2] =	sst s0  }
0x18: {  	s0 =	sld [smem:$0x3F95];
	_ =	swait.ge [sflag:s4], $0x0  }
0x19: {  	s7 =	sld [smem:$0x3F96]  }
0x1a: {  	s8 =	sadd.s32 $0xFFFFE003, lr  }
0x1b: {  	s9 =	sadd.s32 $0xFFFFFEF7, lr;
	s5 =	simm.s32 $0xFFFFFFFF;
	p2 =	slt.u32 s8, $0xFFFFF086  }
0x1c: {  	p1 =	slt.u32 s9, $0xF7A;
	s5 =	simm.s32 @!p2 $0x0  }
0x1d: {  	s5 =	simm.s32 @p1 $0x1;
	p0 =	seq.s32 s7, s2  }
0x1e: {  	s7 =	smul.u32 @!p0 $0xF7A, s2;
	p2 =	seq.s32 @!p0 s5, $0x0  }
0x1f: {  	s9 =	smul.u32 $0xF7A, s1;
	s8 =	simm.s32 @!p0 $0x1BF5;
	p2 =	por !p2, p0  }
0x20: {  	[sflag:s8] =	ssyncset.s32 @!p0 $0xFFFFF086;
	s6 =	sadd.s32 @!p0 s3, s7;
	s7 =	simm.s32 @!p0 $0x108  }
0x21: {  	s3 =	sadd.s32 s3, s9;
	s6 =	sadd.s32 @!p0 $0x88, s6;
	s7 =	simm.s32 @p2 $0x1082  }
0x22: {  	[simem:s7], [sflag:s8] =	dma.local @!p0 [hbm:s6], $0xF7A  }
0x23: {  	s9 =	sor.u32 $0xD0000000, s2;
	s6 =	simm.s32 $0x108;
	_ =	swait.ge @!p0 [sflag:s8], $0x0  }
0x24: {  	s3 =	sadd.s32 $0x88, s3;
	s6 =	simm.s32 @!p1 $0x1082;
	[sflag:s4] =	ssyncset.s32 $0xFFFFF086  }
0x25: {  	[simem:s6], [sflag:s4] =	dma.local [hbm:s3], $0xF7A  }
0x26: {  	[smem:$0x3F96] =	sst s1;
	(tag) =	ssettag s2;
	_ =	strace s9  }
0x27: {  	s1 =	sld [smem:$0x3FA6]  }
0x28: {  	s2 =	sld [smem:$0x3FA7]  }
0x29: {  	s4 =	sld [smem:$0x3FA9]  }
0x2a: {  	p0 =	seq.s32 s5, $0x0;
	s5 =	sld [smem:$0x3FAA]  }
0x2b: {  	s6 =	sld [smem:$0x3FAB]  }
0x2c: {  	s7 =	sld [smem:$0x3FAC]  }
0x2d: {  	s3 =	simm.s32 $0x108;
	s8 =	sld [smem:$0x3FAD]  }
0x2e: {  	s3 =	simm.s32 @!p0 $0x1082;
	s9 =	sld [smem:$0x3FAE]  }
0x2f: {  	lr =	sadd.s32 s0, s3;
	s0 =	sld [smem:$0x3FA5]  }
0x30: {  	s3 =	sld [smem:$0x3FA8]  }
0x31: {  	[smem:$0x3FB1] =	sst s10  }
0x32: {  	s10 =	sld [smem:$0x3FAF];
	_ =	sdelay $0x3  }
0x33: {  	p0 =	seq.s32 s10, $0x1;
	s10 =	sld [smem:$0x3FB1];
	_ =	sdelay $0x3  }
0x34: {  	[smem:$0x3FB1] =	sst s10  }
0x35: {  	s10 =	sld [smem:$0x3FB0];
	_ =	sdelay $0x3  }
0x36: {  	p1 =	seq.s32 s10, $0x1;
	s10 =	sld [smem:$0x3FB1];
	_ =	sdelay $0x3  }
0x37: {  	[smem:$0x3FB1] =	sst s10  }
0x38: {  	s10 =	sld [smem:$0x3FB2]  }
0x39: {  	_ = 	snop;
	(pc) =	sbr.ind lr, $3  }
0x3a: {  	_ = 	snop  }
0x3b: {  	_ = 	snop  }
0x3c: {  	p2 =	seq.s32 s10, $0x1;
	s10 =	sld [smem:$0x3FB1]  }
0x3d: {  	_ =	shalt  }
0x3e: {  	_ =	shalt  }
0x3f: {  	_ =	shalt  }
0x40: {  	_ =	shalt  }
0x41: {  	_ =	shalt  }
0x42: {  	_ =	shalt  }
0x43: {  	_ =	shalt  }
0x44: {  	_ =	shalt  }
0x45: {  	_ =	shalt  }
0x46: {  	_ =	shalt  }
0x47: {  	_ =	shalt  }
0x48: {  	_ =	shalt  }
0x49: {  	_ =	shalt  }
0x4a: {  	_ =	shalt  }
0x4b: {  	_ =	shalt  }
0x4c: {  	_ =	shalt  }
0x4d: {  	_ =	shalt  }
0x4e: {  	_ =	shalt  }
0x4f: {  	_ =	shalt  }
0x50: {  	_ =	shalt  }
0x51: {  	_ =	shalt  }
0x52: {  	_ =	shalt  }
0x53: {  	_ =	shalt  }
0x54: {  	_ =	shalt  }
0x55: {  	_ =	shalt  }
0x56: {  	_ =	shalt  }
0x57: {  	_ =	shalt  }
0x58: {  	_ =	shalt  }
0x59: {  	_ =	shalt  }
0x5a: {  	_ =	shalt  }
0x5b: {  	_ =	shalt  }
0x5c: {  	_ =	shalt  }
0x5d: {  	_ =	shalt  }
0x5e: {  	_ =	shalt  }
0x5f: {  	_ =	shalt  }
0x60: {  	_ =	shalt  }
0x61: {  	_ =	shalt  }
0x62: {  	_ =	shalt  }
0x63: {  	_ =	shalt  }
0x64: {  	_ =	shalt  }
0x65: {  	_ =	shalt  }
0x66: {  	_ =	shalt  }
0x67: {  	_ =	shalt  }
0x68: {  	_ =	shalt  }
0x69: {  	_ =	shalt  }
0x6a: {  	_ =	shalt  }
0x6b: {  	_ =	shalt  }
0x6c: {  	_ =	shalt  }
0x6d: {  	_ =	shalt  }
0x6e: {  	_ =	shalt  }
0x6f: {  	_ =	shalt  }
0x70: {  	_ =	shalt  }
0x71: {  	_ =	shalt  }
0x72: {  	_ =	shalt  }
0x73: {  	_ =	shalt  }
0x74: {  	_ =	shalt  }
0x75: {  	_ =	shalt  }
0x76: {  	_ =	shalt  }
0x77: {  	_ =	shalt  }
0x78: {  	_ =	shalt  }
0x79: {  	_ =	shalt  }
0x7a: {  	_ =	shalt  }
0x7b: {  	_ =	shalt  }
0x7c: {  	_ =	shalt  }
0x7d: {  	_ =	shalt  }
0x7e: {  	_ =	shalt  }
0x7f: {  	_ =	shalt  }
0x80: {  	_ =	shalt  }
0x81: {  	_ =	shalt  }
0x82: {  	_ =	shalt  }
0x83: {  	_ =	shalt  }
0x84: {  	_ =	shalt  }
0x85: {  	_ =	shalt  }
0x86: {  	_ =	shalt  }
0x87: {  	_ =	shalt  }
.Lfunc_end0:
.L_simem_size_0:
called_computation.2_lowered:
.L_overlay_start_0:
0x88: {  	s2 =	sld [smem:$0x3FD9]  }
0x89: {  	s3 =	sld [smem:$0x3FFE];
	_ =	sdelay $0x1  }
0x8a: {  	s1 =	srdreg.scid  }
0x8b: {  	s0 =	sand.u32 $0x1, s1  }
0x8c: {  	s16 =	sshll.u32 s0, $0xA;
	s2 =	sadd.s32 s3, s2  }
0x8d: {  	s2 =	sadd.s32 s2, s16  }
0x8e: {  	[smem:$0x3FBD] =	sst s2  }
0x8f: {  	_ = 	snop  }
0x90: {  	(tm) =	ssettm $0x1  }
0x91: {  	s17 =	sld [smem:$0x3FFB];
	_ =	sdelay $0x3  }
0x92: {  	_ =	strace s17  }
0x93: {  	s2 =	sld [smem:$0x3FFC];
	_ =	sdelay $0x3  }
0x94: {  	_ =	strace s2  }
0x95: {  	s2 =	sld [smem:$0x3FFD];
	_ =	sdelay $0x3  }
0x96: {  	_ =	strace s2  }
0x97: {  	_ =	strace $0x8FFFFFFF  }
0x98: {  	s18 =	sld [smem:$0x3FDB];
	_ =	sdelay $0x1  }
0x99: {  	s19 =	simm.s32 $_scs_section_size  }
0x9a: {  	s4 =	simm.s32 $_size__tile_overlayer_lowered;
	s5 =	simm.s32 $_tile_overlayer_lowered  }
0x9b: {  	s22 =	simm.s32 $0x1BFF;
	s21 =	sshll.u32 s5, $0x1;
	s2 =	sadd.s32 s19, s18  }
0x9c: {  	s6 =	simm.s32 $0x0;
	s20 =	sshll.u32 s4, $0x1;
	s4 =	sadd.s32 s21, s2  }
0x9d: {  	[timem:s6], [sflag:s22] =	dma.local [hbm:s4], s20  }
0x9e: {  	_ =	swait.ge [sflag:s22], s20  }
0x9f: {  	s3 =	ssub.s32 $0x0, s20;
	[sflag:s22] =	ssyncset.done $0x0  }
0xa0: {  	[sflag:s22] =	ssyncadd.s32 s3;
	_ =	sdelay $0x1  }
0xa1: {  	s23 =	simm.s32 $0x1B8B  }
0xa2: {  	_ =	swait.ge [sflag:s23], $0x1  }
0xa3: {  	[sflag:s23] =	ssyncset.done $0x0  }
0xa4: {  	s25 =	simm.s32 $0x1B8E;
	s24 =	sld [smem:$0x3FFE];
	[sflag:s23] =	ssyncadd.s32 $0xFFFFFFFF  }
0xa5: {  	s26 =	simm.s32 $execute0_lowered;
	[smem:$0x3FD2] =	sst s25  }
0xa6: {  	s4 =	sshll.u32 s26, $0x1;
	_ =	strace $0x80000049;
	[dreg:$0x1] =	wrdreg $0xFFFFFFFF  }
0xa7: {  	s28 =	simm.s32 $_size_execute0_lowered;
	s2 =	sadd.s32 s2, s4;
	[dreg:$0x0] =	wrdreg $0x0  }
0xa8: {  	s4 =	sshll.u32 s28, $0x1;
	[dreg:$0x2] =	wrdreg s2  }
0xa9: {  	[dreg:$0x3] =	wrdreg s4  }
0xaa: {  	[dreg:$0x4] =	wrdreg $0xC0  }
0xab: {  	_ =	task [dreg:s6], $0x5FFFF  }
0xac: {  	[dreg:$0x1] =	wrdreg $0xFFFFFFFF  }
0xad: {  	[dreg:$0x0] =	wrdreg $0x60  }
0xae: {  	[dreg:$0x2] =	wrdreg s24  }
0xaf: {  	[dreg:$0x3] =	wrdreg $0x0  }
0xb0: {  	[dreg:$0x4] =	wrdreg $0xA  }
0xb1: {  	_ =	task.clear_ibuf [dreg:s6], $0x5FFFF;
	_ =	strace $0x90000049  }
0xb2: {  	s29 =	simm.s32 $0xA;
	_ =	strace $0x8000004B  }
0xb3: {  	_ =	swait.ge [sflag:s29], $0x1  }
0xb4: {  	[sflag:s29] =	ssyncadd.s32 $0xFFFFFFFF  }
0xb5: {  	_ =	strace $0x9000004B  }
0xb6: {  	_ =	sfence  }
0xb7: {  	s30 =	sld [smem:$0x0];
	_ =	sdelay $0x2  }
0xb8: {  	s31 =	sshll.u32 s1, $0xD;
	s1 =	sshrl.u32 s1, $0x2  }
0xb9: {  	s3 =	sand.u32 $0x4000, s31;
	s1 =	sadd.s32 s1, s30  }
0xba: {  	s0 =	sor.u32 s3, s0;
	s1 =	sshll.u32 s1, $0x11  }
0xbb: {  	s0 =	sor.u32 s1, s0  }
0xbc: {  	s0 =	sadd.s32 $0x8F2B, s0  }
0xbd: {  	[sflag:s0] =	ssyncadd.remote.s32 $0x1  }
0xbe: {  	_ =	sfence.sel $0xFFFF  }
0xbf: {  	[dreg:$0x0] =	wrdreg $0xFFFFFFFF;
	(pc) =	sbr.abs _section_cstart, $3  }
0xc0: {  	[dreg:$0x1] =	wrdreg $0xFFFFFFFF  }
0xc1: {  	_ =	task.clear_ibuf [dreg:s6], $0x2FFFF;
	_ =	strace $0x9FFFFFFF  }
0xc2: {  	(tm) =	ssettm $0x7FFFFFFF  }
0xc3: {  	_ =	shalt  }
tec
execute0_lowered:
.L_overlay_start_1:
0x0: {  	(tag) =	ssettag $0x1  }
0x1: {  	s0 =	rddreg [dreg:$0x0];
	s16 =	stileid.u32  }
0x2: {  	s1 =	srdreg.scid;
	s2 =	rddreg [dreg:$0x1]  }
0x3: {  	s4 =	simm.s32 $0x0;
	s28 =	simm.s32 $0x14100;
	s29 =	simm.s32 $0x3  }
0x4: {  	s30 =	simm.s32 $0x5;
	s31 =	simm.s32 $0x80;
	s3 =	smul.u32 $0x14000, s16  }
0x5: {  	s1 =	sand.u32 $0x1, s1;
	[smem:$0x7FF] =	sst s4;
	s12 =	smul.u32 $0x50000, s16  }
0x6: {  	s6 =	sadd.s32 $0x84800, s0;
	s7 =	sadd.s32 $0x2600, s0;
	s14 =	smul.u32 $0x4C00, s16  }
0x7: {  	s15 =	sshll.u32 s16, $0xA;
	s21 =	sshll.u32 s16, $0x6;
	s16 =	simm.s32 $0x0  }
0x8: {  	s5 =	smul.u32 $0x140000, s1;
	_ =	strace $0x8000004A;
	s20 =	ssub.s32 $0x2, s1  }
0x9: {  	p0 =	seq.s32 s1, $0x0;
	s1 =	sor.u32 $0x4C000, s15;
	s17 =	sor.u32 $0x1C07, s21  }
0xa: {  	s15 =	simm.s32 $0x2;
	s9 =	sshrl.u32 s3, $0x3;
	s13 =	sshrl.u32 s20, $0x1  }
0xb: {  	s12 =	sshrl.u32 s12, $0x2;
	s1 =	smov.u32 @p0 s14;
	[dreg:$0x4] =	wrdreg s17  }
0xc: {  	s8 =	sadd.s32 s3, s5;
	s11 =	sadd.s32 s9, s0;
	s9 =	sadd.s32 $0x8EA00, s0  }
0xd: {  	s12 =	sadd.s32 s12, s2;
	s1 =	sshrl.u32 s1, $0x3;
	s23 =	sshrl.u32 s5, $0x3  }
0xe: {  	s10 =	sshrl.u32 s8, $0x3;
	s8 =	sadd.s32 $0x34800, s0;
	s11 =	sadd.s32 $0xC800, s11  }
0xf: {  	s22 =	sadd.s32 s7, s1;
	s24 =	sadd.s32 s6, s1;
	s14 =	sadd.s32 s9, s23  }
0x10: {  	s25 =	sor.u32 $0x10, s1;
	s21 =	sor.u32 $0x20, s1;
	s18 =	sshrl.u32 s12, $0x3  }
0x11: {  	s23 =	simm.s32 $0x7;
	s12 =	simm.s32 $0x4;
	[dreg:$0x3] =	wrdreg s11  }
0x12: {  	s10 =	sadd.s32 s10, s0;
	s0 =	ssub.s32 s20, s13;
	[dreg:$0x5] =	wrdreg s22  }
0x13: {  	[dreg:$0x6] =	wrdreg s24;
	s26 =	sadd.s32 s7, s25;
	s11 =	sadd.s32 s6, s25  }
0x14: {  	s20 =	sor.u32 $0x30, s1;
	s24 =	simm.s32 $0x14200;
	[dreg:$0xc] =	wrdreg s18  }
0x15: {  	s25 =	simm.s32 $0x18200;
	s1 =	simm.s32 $0x14080;
	[dreg:$0x7] =	wrdreg s26  }
0x16: {  	s13 =	simm.s32 $0x6;
	[dreg:$0x8] =	wrdreg s11;
	s10 =	sadd.s32 $0xDEA00, s10  }
0x17: {  	s11 =	simm.s32 $0x4C;
	s0 =	smax.u32 s0, $0x1;
	[dreg:$0xa] =	wrdreg s10  }
0x18: {  	s26 =	simm.s32 $0x14000;
	s11 =	simm.s32 @!p0 $0x4;
	[dreg:$0xb] =	wrdreg s0  }
0x19: {  	s0 =	simm.s32 $0x14180;
	s10 =	simm.s32 $0x1;
	[dreg:$0x9] =	wrdreg s11  }
.LBB2_1:
0x1a: {  	s11 =	rddreg [dreg:$0x3]  }
0x1b: {  	[spmem:s18], [sflag:s17] =	dma.local [hbm:s11], $0x2800  }
0x1c: {  	_ =	swait.ge [sflag:s23], $0x2800  }
0x1d: {  	[sflag:s23] =	ssyncset.done $0x0  }
0x1e: {  	s18 =	simm.s32 $0x0;
	[sflag:s23] =	ssyncadd.s32 $0xFFFFD800  }
.LBB2_2:
0x1f: {  	s11 =	sshll.u32 s18, $0xE  }
0x20: {  	s19 =	sadd.s32 s3, s11  }
0x21: {  	s11 =	sshrl.u32 s19, $0x3  }
0x22: {  	s17 =	simm.s32 $0x0;
	s11 =	sadd.s32 s8, s11  }
0x23: {  	[tilespmem:s24], [sflag:$0x7] =	stream.linear.gather [hbm4b:s11+s17], $0x4000, $0x38;
	[tilespmem:$0x1C200] =	vst v63  }
0x24: {  	_ =	swait.ge [sflag:s23], $0x4000  }
0x25: {  	[sflag:s23] =	ssyncset.done $0x0  }
0x26: {  	s11 =	sadd.s32 $0x28000, s11;
	[sflag:s23] =	ssyncadd.s32 $0xFFFFC000  }
0x27: {  	[tilespmem:s25], [sflag:$0x7] =	stream.linear.gather [hbm4b:s11+s17], $0x4000, $0x38;
	[tilespmem:$0x1C200] =	vst v63  }
0x28: {  	_ =	swait.ge [sflag:s23], $0x4000  }
0x29: {  	[sflag:s23] =	ssyncset.done $0x0  }
0x2a: {  	s11 =	simm.s32 $0x0;
	[sflag:s23] =	ssyncadd.s32 $0xFFFFC000  }
0x2b: {  	v7 =	vld [tilespmem:s11+$0x14200]  }
0x2c: {  	v11 =	vld [tilespmem:s11+$0x14210]  }
0x2d: {  	v5 =	vld [tilespmem:s11+$0x14220]  }
0x2e: {  	v4 =	vld [tilespmem:s11+$0x14230]  }
0x2f: {  	v3 =	vld [tilespmem:s11+$0x14240]  }
0x30: {  	v2 =	vld [tilespmem:s11+$0x14250]  }
0x31: {  	v1 =	vld [tilespmem:s11+$0x14260]  }
0x32: {  	v0 =	vld [tilespmem:s11+$0x14270]  }
0x33: {  	v12 =	vld [tilespmem:s11+$0x18200]  }
0x34: {  	v13 =	vld [tilespmem:s11+$0x18210]  }
0x35: {  	v10 =	vld [tilespmem:s11+$0x18220]  }
0x36: {  	v9 =	vld [tilespmem:s11+$0x18230]  }
0x37: {  	v8 =	vld [tilespmem:s11+$0x18240]  }
0x38: {  	v6 =	vld [tilespmem:s11+$0x18250];
	v12 =	vadd.f32 v12, v7  }
0x39: {  	s22 =	simm.s32 $0x200;
	v11 =	vadd.f32 v13, v11;
	v7 =	vld [tilespmem:s11+$0x18260]  }
.LBB2_3:
0x3a: {  	p0 =	sne.s32 s22, $0xFE00;
	v12 =	vmax.f32 v12, $1.000000000e+00;
	v5 =	vadd.f32 v10, v5;
	v10 =	vld [tilespmem:s11+$0x18270]  }
0x3b: {  	v11 =	vmax.f32 v11, $1.000000000e+00;
	v4 =	vadd.f32 v9, v4;
	(erf) = vrcp.f32 v12  }
0x3c: {  	v5 =	vmax.f32 v5, $1.000000000e+00;
	v3 =	vadd.f32 v8, v3;
	(erf) = vrcp.f32 v11  }
0x3d: {  	s17 =	sshra.s32 s22, $0x2;
	v4 =	vmax.f32 v4, $1.000000000e+00;
	v2 =	vadd.f32 v6, v2;
	(erf) = vrcp.f32 v5  }
0x3e: {  	v6 =	vld [tilespmem:s17+$0x14200];
	v3 =	vmax.f32 v3, $1.000000000e+00;
	v1 =	vadd.f32 v7, v1;
	(erf) = vrcp.f32 v4  }
0x3f: {  	v7 =	vld [tilespmem:s17+$0x14210];
	v2 =	vmax.f32 v2, $1.000000000e+00;
	v0 =	vadd.f32 v10, v0;
	(erf) = vrcp.f32 v3  }
0x40: {  	v5 =	vld [tilespmem:s17+$0x14220];
	v1 =	vmax.f32 v1, $1.000000000e+00;
	(erf) = vrcp.f32 v2  }
0x41: {  	v4 =	vld [tilespmem:s17+$0x14230];
	v0 =	vmax.f32 v0, $1.000000000e+00;
	(erf) = vrcp.f32 v1  }
0x42: {  	v3 =	vld [tilespmem:s17+$0x14240];
	(erf) = vrcp.f32 v0  }
0x43: {  	v2 =	vld [tilespmem:s17+$0x14250]  }
0x44: {  	v1 =	vld [tilespmem:s17+$0x14260];
	v8 =	vpop (erf)  }
0x45: {  	v0 =	vld [tilespmem:s17+$0x14270];
	[tilespmem:s11+$0x18200] =	vst v8;
	v8 =	vpop (erf)  }
0x46: {  	v11 =	vld [tilespmem:s17+$0x18200];
	[tilespmem:s11+$0x18210] =	vst v8;
	v8 =	vpop (erf)  }
0x47: {  	v13 =	vld [tilespmem:s17+$0x18210];
	[tilespmem:s11+$0x18220] =	vst v8;
	v8 =	vpop (erf)  }
.Ltmp0:
0x48: {  	v10 =	vld [tilespmem:s17+$0x18220];
	[tilespmem:s11+$0x18230] =	vst v8;
	v8 =	vpop (erf);
	(pc) =	sbr.rel @p0 .LBB2_3-.Ltmp0, $4  }
0x49: {  	v9 =	vld [tilespmem:s17+$0x18230];
	[tilespmem:s11+$0x18240] =	vst v8;
	v12 =	vpop (erf)  }
0x4a: {  	v8 =	vld [tilespmem:s17+$0x18240];
	[tilespmem:s11+$0x18250] =	vst v12;
	v14 =	vpop (erf)  }
0x4b: {  	v12 =	vadd.f32 v11, v6;
	v6 =	vld [tilespmem:s17+$0x18250];
	[tilespmem:s11+$0x18260] =	vst v14;
	v14 =	vpop (erf)  }
0x4c: {  	s22 =	sadd.s32 $0x200, s22;
	v11 =	vadd.f32 v13, v7;
	v7 =	vld [tilespmem:s17+$0x18260];
	[tilespmem:s11+$0x18270] =	vst v14;
	s11 =	smov.u32 s17  }
0x4d: {  	v12 =	vmax.f32 v12, $1.000000000e+00;
	v5 =	vadd.f32 v10, v5;
	v55 =	vld [tilespmem:s11+$0x18270]  }
0x4e: {  	v11 =	vmax.f32 v11, $1.000000000e+00;
	v4 =	vadd.f32 v9, v4;
	(erf) = vrcp.f32 v12  }
0x4f: {  	v5 =	vmax.f32 v5, $1.000000000e+00;
	v3 =	vadd.f32 v8, v3;
	(erf) = vrcp.f32 v11  }
0x50: {  	v4 =	vmax.f32 v4, $1.000000000e+00;
	v2 =	vadd.f32 v6, v2;
	(erf) = vrcp.f32 v5  }
0x51: {  	v3 =	vmax.f32 v3, $1.000000000e+00;
	v1 =	vadd.f32 v7, v1;
	(erf) = vrcp.f32 v4  }
0x52: {  	v2 =	vmax.f32 v2, $1.000000000e+00;
	v0 =	vadd.f32 v55, v0;
	(erf) = vrcp.f32 v3  }
0x53: {  	v1 =	vmax.f32 v1, $1.000000000e+00;
	(erf) = vrcp.f32 v2  }
0x54: {  	v0 =	vmax.f32 v0, $1.000000000e+00;
	(erf) = vrcp.f32 v1  }
0x55: {  	(erf) = vrcp.f32 v0;
	_ =	sdelay $0x1  }
0x56: {  	v56 =	vpop (erf)  }
0x57: {  	[tilespmem:s11+$0x18200] =	vst v56;
	v57 =	vpop (erf)  }
0x58: {  	[tilespmem:s11+$0x18210] =	vst v57;
	v58 =	vpop (erf)  }
0x59: {  	[tilespmem:s11+$0x18220] =	vst v58;
	v59 =	vpop (erf)  }
0x5a: {  	[tilespmem:s11+$0x18230] =	vst v59;
	v60 =	vpop (erf)  }
0x5b: {  	[tilespmem:s11+$0x18240] =	vst v60;
	v61 =	vpop (erf)  }
0x5c: {  	s17 =	sadd.s32 s5, s19;
	s18 =	sadd.s32 $0x1, s18;
	[tilespmem:s11+$0x18250] =	vst v61;
	v62 =	vpop (erf)  }
0x5d: {  	s17 =	sshrl.u32 s17, $0x3;
	p0 =	sne.s32 s18, $0x5;
	[tilespmem:s11+$0x18260] =	vst v62;
	v63 =	vpop (erf)  }
.Ltmp1:
0x5e: {  	s22 =	sadd.s32 s9, s17;
	[tilespmem:s11+$0x18270] =	vst v63;
	(pc) =	sbr.rel @p0 .LBB2_2-.Ltmp1, $4  }
0x5f: {  	[hbm4b:s22+s4] =	stream.linear.scatter [tilespmem:s25], [sflag:$0x7], $0x4000, $0x38;
	[tilespmem:$0x1C200] =	vst v63  }
0x60: {  	_ =	swait.ge [sflag:s23], $0x4000  }
0x61: {  	[sflag:s23] =	ssyncset.done $0x0  }
0x62: {  	[sflag:s23] =	ssyncadd.s32 $0xFFFFC000  }
0x63: {  	[bflag:$0x0] =	sbarrier.arrive $0xFFFF  }
0x64: {  	s11 =	rddreg [dreg:$0x5]  }
0x65: {  	[tilespmem:s26], [sflag:$0x3] =	stream.linear.gather [hbm4b:s11+s4], $0x80, $0x38;
	[tilespmem:$0x1C200] =	vst v63  }
0x66: {  	s18 =	rddreg [dreg:$0x6]  }
0x67: {  	[tilespmem:s28], [sflag:$0x5] =	stream.linear.gather [hbm4b:s18+s4], $0x80, $0x38;
	[tilespmem:$0x1C200] =	vst v63  }
0x68: {  	_ =	swait.ge [sflag:s29], $0x80  }
0x69: {  	[sflag:s29] =	ssyncset.done $0x0  }
0x6a: {  	[sflag:s29] =	ssyncadd.s32 $0xFFFFFF80  }
0x6b: {  	_ =	swait.ge [sflag:s30], $0x80  }
0x6c: {  	[sflag:s30] =	ssyncset.done $0x0  }
0x6d: {  	[sflag:s30] =	ssyncadd.s32 $0xFFFFFF80  }
0x6e: {  	[tilespmem:s24], [sflag:$0x1] =	stream.indirect.gather [hbm4b:s14+s31], $0x80, s26, s31, $0xb8;
	[tilespmem:$0x1C200] =	vst v63  }
0x6f: {  	s19 =	rddreg [dreg:$0x7]  }
0x70: {  	[tilespmem:s1], [sflag:$0x4] =	stream.linear.gather [hbm4b:s19+s4], $0x80, $0x38;
	[tilespmem:$0x1C200] =	vst v63  }
0x71: {  	s22 =	rddreg [dreg:$0x8]  }
0x72: {  	[tilespmem:s0], [sflag:$0x6] =	stream.linear.gather [hbm4b:s22+s4], $0x80, $0x38;
	[tilespmem:$0x1C200] =	vst v63  }
0x73: {  	_ =	swait.ge [sflag:s10], $0x4000  }
0x74: {  	[sflag:s10] =	ssyncset.done $0x0  }
0x75: {  	[sflag:s10] =	ssyncadd.s32 $0xFFFFC000  }
0x76: {  	_ =	swait.ge [sflag:s12], $0x80  }
0x77: {  	[sflag:s12] =	ssyncset.done $0x0  }
0x78: {  	[sflag:s12] =	ssyncadd.s32 $0xFFFFFF80  }
0x79: {  	_ =	swait.ge [sflag:s13], $0x80  }
0x7a: {  	[sflag:s13] =	ssyncset.done $0x0  }
0x7b: {  	[sflag:s13] =	ssyncadd.s32 $0xFFFFFF80  }
0x7c: {  	[tilespmem:s25], [sflag:$0x2] =	stream.indirect.gather [hbm4b:s14+s31], $0x80, s1, s31, $0xb8;
	[tilespmem:$0x1C200] =	vst v63  }
0x7d: {  	_ = 	snop  }
0x7e: {  	[spmem:s2] =	stream.indirect.scatter.add.f32 [tilespmem:s24], [sflag:$0x7], $0x80, s28, s31, $0xb8;
	[tilespmem:$0x1C200] =	vst v63  }
0x7f: {  	_ =	swait.ge [sflag:s23], $0x4000  }
0x80: {  	[sflag:s23] =	ssyncset.done $0x0  }
0x81: {  	s17 =	sadd.s32 s7, s21;
	[sflag:s23] =	ssyncadd.s32 $0xFFFFC000  }
0x82: {  	[tilespmem:s26], [sflag:$0x3] =	stream.linear.gather [hbm4b:s17+s4], $0x80, $0x38;
	[tilespmem:$0x1C200] =	vst v63  }
0x83: {  	s18 =	sadd.s32 s6, s21  }
0x84: {  	[tilespmem:s28], [sflag:$0x5] =	stream.linear.gather [hbm4b:s18+s4], $0x80, $0x38;
	[tilespmem:$0x1C200] =	vst v63  }
0x85: {  	_ =	swait.ge [sflag:s15], $0x4000  }
0x86: {  	[sflag:s15] =	ssyncset.done $0x0  }
0x87: {  	[sflag:s15] =	ssyncadd.s32 $0xFFFFC000  }
0x88: {  	_ =	swait.ge [sflag:s29], $0x80  }
0x89: {  	[sflag:s29] =	ssyncset.done $0x0  }
0x8a: {  	[sflag:s29] =	ssyncadd.s32 $0xFFFFFF80  }
0x8b: {  	_ =	swait.ge [sflag:s30], $0x80  }
0x8c: {  	[sflag:s30] =	ssyncset.done $0x0  }
0x8d: {  	[sflag:s30] =	ssyncadd.s32 $0xFFFFFF80  }
0x8e: {  	[tilespmem:s24], [sflag:$0x1] =	stream.indirect.gather [hbm4b:s14+s31], $0x80, s26, s31, $0xb8;
	[tilespmem:$0x1C200] =	vst v63  }
0x8f: {  	_ = 	snop  }
0x90: {  	[spmem:s2] =	stream.indirect.scatter.add.f32 [tilespmem:s25], [sflag:$0x7], $0x80, s0, s31, $0xb8;
	[tilespmem:$0x1C200] =	vst v63  }
0x91: {  	_ =	swait.ge [sflag:s23], $0x4000  }
0x92: {  	s22 =	rddreg [dreg:$0x9]  }
0x93: {  	p0 =	sne.s32 s22, $0x1  }
.Ltmp2:
0x94: {  	_ = 	snop;
	(pc) =	sbr.rel @!p0 .LBB2_7-.Ltmp2, $4  }
0x95: {  	[sflag:s23] =	ssyncset.done $0x0  }
0x96: {  	s19 =	sadd.s32 s7, s20;
	s17 =	sadd.s32 s6, s20;
	[sflag:s23] =	ssyncadd.s32 $0xFFFFC000  }
0x97: {  	[tilespmem:s1], [sflag:$0x4] =	stream.linear.gather [hbm4b:s19+s4], $0x80, $0x38;
	[tilespmem:$0x1C200] =	vst v63  }
0x98: {  	s18 =	sadd.s32 $0x20, s6;
	s11 =	sadd.s32 $0xFFFFFFFF, s22;
	s19 =	sadd.s32 $0x20, s7  }
.LBB2_6:
0x99: {  	[tilespmem:s0], [sflag:$0x6] =	stream.linear.gather [hbm4b:s17+s4], $0x80, $0x38;
	[tilespmem:$0x1C200] =	vst v63  }
0x9a: {  	p0 =	sne.s32 s11, $0x1;
	s11 =	sadd.s32 $0xFFFFFFFF, s11;
	_ =	swait.ge [sflag:s10], $0x4000  }
0x9b: {  	[sflag:s10] =	ssyncset.done $0x0  }
0x9c: {  	[sflag:s10] =	ssyncadd.s32 $0xFFFFC000  }
0x9d: {  	_ =	swait.ge [sflag:s12], $0x80  }
0x9e: {  	[sflag:s12] =	ssyncset.done $0x0  }
0x9f: {  	[sflag:s12] =	ssyncadd.s32 $0xFFFFFF80  }
0xa0: {  	_ =	swait.ge [sflag:s13], $0x80  }
0xa1: {  	[sflag:s13] =	ssyncset.done $0x0  }
0xa2: {  	[sflag:s13] =	ssyncadd.s32 $0xFFFFFF80  }
0xa3: {  	[tilespmem:s25], [sflag:$0x2] =	stream.indirect.gather [hbm4b:s14+s31], $0x80, s1, s31, $0xb8;
	[tilespmem:$0x1C200] =	vst v63  }
0xa4: {  	_ = 	snop  }
0xa5: {  	[spmem:s2] =	stream.indirect.scatter.add.f32 [tilespmem:s24], [sflag:$0x7], $0x80, s28, s31, $0xb8;
	[tilespmem:$0x1C200] =	vst v63  }
0xa6: {  	_ =	swait.ge [sflag:s23], $0x4000  }
0xa7: {  	[sflag:s23] =	ssyncset.done $0x0  }
0xa8: {  	s17 =	sadd.s32 s19, s21;
	[sflag:s23] =	ssyncadd.s32 $0xFFFFC000  }
0xa9: {  	[tilespmem:s26], [sflag:$0x3] =	stream.linear.gather [hbm4b:s17+s4], $0x80, $0x38;
	[tilespmem:$0x1C200] =	vst v63  }
0xaa: {  	s17 =	sadd.s32 s18, s21  }
0xab: {  	[tilespmem:s28], [sflag:$0x5] =	stream.linear.gather [hbm4b:s17+s4], $0x80, $0x38;
	[tilespmem:$0x1C200] =	vst v63  }
0xac: {  	_ =	swait.ge [sflag:s15], $0x4000  }
0xad: {  	[sflag:s15] =	ssyncset.done $0x0  }
0xae: {  	[sflag:s15] =	ssyncadd.s32 $0xFFFFC000  }
0xaf: {  	_ =	swait.ge [sflag:s29], $0x80  }
0xb0: {  	[sflag:s29] =	ssyncset.done $0x0  }
0xb1: {  	[sflag:s29] =	ssyncadd.s32 $0xFFFFFF80  }
0xb2: {  	_ =	swait.ge [sflag:s30], $0x80  }
0xb3: {  	[sflag:s30] =	ssyncset.done $0x0  }
0xb4: {  	[sflag:s30] =	ssyncadd.s32 $0xFFFFFF80  }
0xb5: {  	[tilespmem:s24], [sflag:$0x1] =	stream.indirect.gather [hbm4b:s14+s31], $0x80, s26, s31, $0xb8;
	[tilespmem:$0x1C200] =	vst v63  }
0xb6: {  	_ = 	snop  }
0xb7: {  	[spmem:s2] =	stream.indirect.scatter.add.f32 [tilespmem:s25], [sflag:$0x7], $0x80, s0, s31, $0xb8;
	[tilespmem:$0x1C200] =	vst v63  }
.Ltmp3:
0xb8: {  	_ =	swait.ge [sflag:s23], $0x4000;
	(pc) =	sbr.rel @p0 .LBB2_6-.Ltmp3, $4  }
0xb9: {  	[sflag:s23] =	ssyncset.done $0x0  }
0xba: {  	s17 =	sadd.s32 s19, s20;
	[sflag:s23] =	ssyncadd.s32 $0xFFFFC000  }
0xbb: {  	[tilespmem:s1], [sflag:$0x4] =	stream.linear.gather [hbm4b:s17+s4], $0x80, $0x38;
	[tilespmem:$0x1C200] =	vst v63  }
0xbc: {  	s19 =	sadd.s32 $0x20, s19;
	s17 =	sadd.s32 s18, s20;
	s18 =	sadd.s32 $0x20, s18  }
.LBB2_7:
0xbd: {  	[tilespmem:s0], [sflag:$0x6] =	stream.linear.gather [hbm4b:s17+s4], $0x80, $0x38;
	[tilespmem:$0x1C200] =	vst v63  }
0xbe: {  	_ =	swait.ge [sflag:s10], $0x4000  }
0xbf: {  	[sflag:s10] =	ssyncset.done $0x0  }
0xc0: {  	[sflag:s10] =	ssyncadd.s32 $0xFFFFC000  }
0xc1: {  	_ =	swait.ge [sflag:s12], $0x80  }
0xc2: {  	[sflag:s12] =	ssyncset.done $0x0  }
0xc3: {  	[sflag:s12] =	ssyncadd.s32 $0xFFFFFF80  }
0xc4: {  	_ =	swait.ge [sflag:s13], $0x80  }
0xc5: {  	[sflag:s13] =	ssyncset.done $0x0  }
0xc6: {  	[sflag:s13] =	ssyncadd.s32 $0xFFFFFF80  }
0xc7: {  	[bflag:$0x0] =	sbarrier.arrive $0xFFFF  }
0xc8: {  	s17 =	rddreg [dreg:$0x4]  }
0xc9: {  	s11 =	rddreg [dreg:$0xa]  }
0xca: {  	s18 =	rddreg [dreg:$0xc]  }
0xcb: {  	[hbm:s11], [sflag:s17] =	dma.local [spmem:s18], $0x2800  }
0xcc: {  	_ =	swait.ge [sflag:s23], $0x2800  }
0xcd: {  	s16 =	sadd.s32 $0x1, s16;
	s22 =	rddreg [dreg:$0xb]  }
0xce: {  	p0 =	sne.s32 s16, s22  }
.Ltmp4:
0xcf: {  	_ = 	snop;
	(pc) =	sbr.rel @p0 .LBB2_1-.Ltmp4, $3  }
0xd0: {  	_ =	sdelay $0x1  }
0xd1: {  	[sflag:s23] =	ssyncset.done $0x0  }
0xd2: {  	[sflag:s23] =	ssyncadd.s32 $0xFFFFD800  }
0xd3: {  	_ =	sfence.sel $0x180000  }
0xd4: {  	[bflag:$0x0] =	sbarrier.arrive $0xFFFF  }
0xd5: {  	_ =	strace $0x9000004A  }
0xd6: {  	s0 =	stileid.u32;
	[bflag:$0x2] =	sbarrier.arrive $0xFFFF  }
0xd7: {  	p0 =	sne.s32 s0, $0x0;
	s0 =	rddreg [dreg:$0x2]  }
0xd8: {  	s0 =	sadd.s32 @!p0 $0x100000, s0  }
0xd9: {  	[sflag:s0] =	ssyncadd.tile.s32 @!p0 $0x1;
	_ =	shalt  }
.Lfunc_end2:
_tile_overlayer_lowered:
.L_overlay_start_2:
0xda: {  	(tag) =	ssettag $0x2  }
0xdb: {  	s0 =	rddreg [dreg:$0x0];
	s2 =	stileid.u32  }
0xdc: {  	s1 =	rddreg [dreg:$0x1];
	p0 =	sne.s32 s2, $0x0  }
0xdd: {  	s3 =	rddreg [dreg:$0x2];
	[bflag:$0x3] =	sbarrier.arrive $0xFFFF;
	s2 =	simm.s32 @!p0 $0x1C07  }
0xde: {  	[timem:s3], [sflag:s2] =	dma.local @!p0 [hbm:s0], s1  }
0xdf: {  	s0 =	simm.s32 @!p0 $0x7  }
0xe0: {  	_ =	swait.ge @!p0 [sflag:s0], s1  }
0xe1: {  	s1 =	ssub.s32 @!p0 $0x0, s1;
	[sflag:s0] =	ssyncset.done @!p0 $0x0  }
0xe2: {  	[sflag:s0] =	ssyncadd.s32 @!p0 s1  }
0xe3: {  	[bflag:$0x3] =	sbarrier.arrive $0xFFFF  }
0xe4: {  	_ =	shalt  }

// kernel: kernel.6.cloned.1.call-start
scs
__scs_entry_jumppad:
0x0: {  	(pc) =	sbr.rel $0x88, $3  }
0x1: {  	(tag) =	ssettag $0x0;
	lr =	simm.s32 $0x1  }
0x2: {  	[smem:$0x3F96] =	sst lr;
	_ =	strace $0xD0000000  }
0x3: {  	_ = 	snop  }
0x4: {  	_ = 	snop  }
0x5: {  	_ = 	snop  }
0x6: {  	_ = 	snop  }
0x7: {  	_ = 	snop  }
__scs_overlays_trampoline_lowered:
0x8: {  	[smem:$0x3FA5] =	sst s0  }
0x9: {  	[smem:$0x3FA6] =	sst s1  }
0xa: {  	[smem:$0x3FA7] =	sst s2  }
0xb: {  	[smem:$0x3FA8] =	sst s3  }
0xc: {  	[smem:$0x3FA9] =	sst s4  }
0xd: {  	[smem:$0x3FAA] =	sst s5  }
0xe: {  	[smem:$0x3FAB] =	sst s6  }
0xf: {  	[smem:$0x3FAC] =	sst s7  }
0x10: {  	[smem:$0x3FAD] =	sst s8  }
0x11: {  	[smem:$0x3FAE] =	sst s9;
	s0 =	simm.s32 @!p0 $0x0  }
0x12: {  	s1 =	sld [smem:$0x3F94];
	s0 =	simm.s32 @p0 $0x1  }
0x13: {  	[smem:$0x3FAF] =	sst s0;
	s0 =	simm.s32 @!p1 $0x0  }
0x14: {  	s2 =	sld [smem:$0x3F93];
	s0 =	simm.s32 @p1 $0x1  }
0x15: {  	[smem:$0x3FB0] =	sst s0;
	s0 =	simm.s32 @!p2 $0x0  }
0x16: {  	s3 =	sld [smem:$0x3FDB];
	s0 =	simm.s32 @p2 $0x1  }
0x17: {  	s4 =	simm.s32 $0x1BF5;
	[smem:$0x3FB2] =	sst s0  }
0x18: {  	s0 =	sld [smem:$0x3F95];
	_ =	swait.ge [sflag:s4], $0x0  }
0x19: {  	s7 =	sld [smem:$0x3F96]  }
0x1a: {  	s8 =	sadd.s32 $0xFFFFE003, lr  }
0x1b: {  	s9 =	sadd.s32 $0xFFFFFEF7, lr;
	s5 =	simm.s32 $0xFFFFFFFF;
	p2 =	slt.u32 s8, $0xFFFFF086  }
0x1c: {  	p1 =	slt.u32 s9, $0xF7A;
	s5 =	simm.s32 @!p2 $0x0  }
0x1d: {  	s5 =	simm.s32 @p1 $0x1;
	p0 =	seq.s32 s7, s2  }
0x1e: {  	s7 =	smul.u32 @!p0 $0xF7A, s2;
	p2 =	seq.s32 @!p0 s5, $0x0  }
0x1f: {  	s9 =	smul.u32 $0xF7A, s1;
	s8 =	simm.s32 @!p0 $0x1BF5;
	p2 =	por !p2, p0  }
0x20: {  	[sflag:s8] =	ssyncset.s32 @!p0 $0xFFFFF086;
	s6 =	sadd.s32 @!p0 s3, s7;
	s7 =	simm.s32 @!p0 $0x108  }
0x21: {  	s3 =	sadd.s32 s3, s9;
	s6 =	sadd.s32 @!p0 $0x88, s6;
	s7 =	simm.s32 @p2 $0x1082  }
0x22: {  	[simem:s7], [sflag:s8] =	dma.local @!p0 [hbm:s6], $0xF7A  }
0x23: {  	s9 =	sor.u32 $0xD0000000, s2;
	s6 =	simm.s32 $0x108;
	_ =	swait.ge @!p0 [sflag:s8], $0x0  }
0x24: {  	s3 =	sadd.s32 $0x88, s3;
	s6 =	simm.s32 @!p1 $0x1082;
	[sflag:s4] =	ssyncset.s32 $0xFFFFF086  }
0x25: {  	[simem:s6], [sflag:s4] =	dma.local [hbm:s3], $0xF7A  }
0x26: {  	[smem:$0x3F96] =	sst s1;
	(tag) =	ssettag s2;
	_ =	strace s9  }
0x27: {  	s1 =	sld [smem:$0x3FA6]  }
0x28: {  	s2 =	sld [smem:$0x3FA7]  }
0x29: {  	s4 =	sld [smem:$0x3FA9]  }
0x2a: {  	p0 =	seq.s32 s5, $0x0;
	s5 =	sld [smem:$0x3FAA]  }
0x2b: {  	s6 =	sld [smem:$0x3FAB]  }
0x2c: {  	s7 =	sld [smem:$0x3FAC]  }
0x2d: {  	s3 =	simm.s32 $0x108;
	s8 =	sld [smem:$0x3FAD]  }
0x2e: {  	s3 =	simm.s32 @!p0 $0x1082;
	s9 =	sld [smem:$0x3FAE]  }
0x2f: {  	lr =	sadd.s32 s0, s3;
	s0 =	sld [smem:$0x3FA5]  }
0x30: {  	s3 =	sld [smem:$0x3FA8]  }
0x31: {  	[smem:$0x3FB1] =	sst s10  }
0x32: {  	s10 =	sld [smem:$0x3FAF];
	_ =	sdelay $0x3  }
0x33: {  	p0 =	seq.s32 s10, $0x1;
	s10 =	sld [smem:$0x3FB1];
	_ =	sdelay $0x3  }
0x34: {  	[smem:$0x3FB1] =	sst s10  }
0x35: {  	s10 =	sld [smem:$0x3FB0];
	_ =	sdelay $0x3  }
0x36: {  	p1 =	seq.s32 s10, $0x1;
	s10 =	sld [smem:$0x3FB1];
	_ =	sdelay $0x3  }
0x37: {  	[smem:$0x3FB1] =	sst s10  }
0x38: {  	s10 =	sld [smem:$0x3FB2]  }
0x39: {  	_ = 	snop;
	(pc) =	sbr.ind lr, $3  }
0x3a: {  	_ = 	snop  }
0x3b: {  	_ = 	snop  }
0x3c: {  	p2 =	seq.s32 s10, $0x1;
	s10 =	sld [smem:$0x3FB1]  }
0x3d: {  	_ =	shalt  }
0x3e: {  	_ =	shalt  }
0x3f: {  	_ =	shalt  }
0x40: {  	_ =	shalt  }
0x41: {  	_ =	shalt  }
0x42: {  	_ =	shalt  }
0x43: {  	_ =	shalt  }
0x44: {  	_ =	shalt  }
0x45: {  	_ =	shalt  }
0x46: {  	_ =	shalt  }
0x47: {  	_ =	shalt  }
0x48: {  	_ =	shalt  }
0x49: {  	_ =	shalt  }
0x4a: {  	_ =	shalt  }
0x4b: {  	_ =	shalt  }
0x4c: {  	_ =	shalt  }
0x4d: {  	_ =	shalt  }
0x4e: {  	_ =	shalt  }
0x4f: {  	_ =	shalt  }
0x50: {  	_ =	shalt  }
0x51: {  	_ =	shalt  }
0x52: {  	_ =	shalt  }
0x53: {  	_ =	shalt  }
0x54: {  	_ =	shalt  }
0x55: {  	_ =	shalt  }
0x56: {  	_ =	shalt  }
0x57: {  	_ =	shalt  }
0x58: {  	_ =	shalt  }
0x59: {  	_ =	shalt  }
0x5a: {  	_ =	shalt  }
0x5b: {  	_ =	shalt  }
0x5c: {  	_ =	shalt  }
0x5d: {  	_ =	shalt  }
0x5e: {  	_ =	shalt  }
0x5f: {  	_ =	shalt  }
0x60: {  	_ =	shalt  }
0x61: {  	_ =	shalt  }
0x62: {  	_ =	shalt  }
0x63: {  	_ =	shalt  }
0x64: {  	_ =	shalt  }
0x65: {  	_ =	shalt  }
0x66: {  	_ =	shalt  }
0x67: {  	_ =	shalt  }
0x68: {  	_ =	shalt  }
0x69: {  	_ =	shalt  }
0x6a: {  	_ =	shalt  }
0x6b: {  	_ =	shalt  }
0x6c: {  	_ =	shalt  }
0x6d: {  	_ =	shalt  }
0x6e: {  	_ =	shalt  }
0x6f: {  	_ =	shalt  }
0x70: {  	_ =	shalt  }
0x71: {  	_ =	shalt  }
0x72: {  	_ =	shalt  }
0x73: {  	_ =	shalt  }
0x74: {  	_ =	shalt  }
0x75: {  	_ =	shalt  }
0x76: {  	_ =	shalt  }
0x77: {  	_ =	shalt  }
0x78: {  	_ =	shalt  }
0x79: {  	_ =	shalt  }
0x7a: {  	_ =	shalt  }
0x7b: {  	_ =	shalt  }
0x7c: {  	_ =	shalt  }
0x7d: {  	_ =	shalt  }
0x7e: {  	_ =	shalt  }
0x7f: {  	_ =	shalt  }
0x80: {  	_ =	shalt  }
0x81: {  	_ =	shalt  }
0x82: {  	_ =	shalt  }
0x83: {  	_ =	shalt  }
0x84: {  	_ =	shalt  }
0x85: {  	_ =	shalt  }
0x86: {  	_ =	shalt  }
0x87: {  	_ =	shalt  }
.Lfunc_end0:
.L_simem_size_0:
called_computation_lowered:
.L_overlay_start_0:
0x88: {  	s2 =	sld [smem:$0x3FD9]  }
0x89: {  	s3 =	sld [smem:$0x3FFE];
	_ =	sdelay $0x1  }
0x8a: {  	s1 =	srdreg.scid  }
0x8b: {  	s0 =	sand.u32 $0x1, s1  }
0x8c: {  	s17 =	sshll.u32 s0, $0xA;
	s2 =	sadd.s32 s3, s2  }
0x8d: {  	s2 =	sadd.s32 s2, s17  }
0x8e: {  	[smem:$0x3FBD] =	sst s2  }
0x8f: {  	_ = 	snop  }
0x90: {  	(tm) =	ssettm $0x1  }
0x91: {  	s18 =	sld [smem:$0x3FFB];
	_ =	sdelay $0x3  }
0x92: {  	_ =	strace s18  }
0x93: {  	s2 =	sld [smem:$0x3FFC];
	_ =	sdelay $0x3  }
0x94: {  	_ =	strace s2  }
0x95: {  	s2 =	sld [smem:$0x3FFD];
	_ =	sdelay $0x3  }
0x96: {  	_ =	strace s2  }
0x97: {  	_ =	strace $0x8FFFFFFF  }
0x98: {  	s19 =	sld [smem:$0x3FDB];
	_ =	sdelay $0x1  }
0x99: {  	s20 =	simm.s32 $_scs_section_size  }
0x9a: {  	s4 =	simm.s32 $_size__tile_overlayer_lowered;
	s5 =	simm.s32 $_tile_overlayer_lowered  }
0x9b: {  	s6 =	simm.s32 $0x1BFF;
	s21 =	sshll.u32 s5, $0x1;
	s3 =	sadd.s32 s20, s19  }
0x9c: {  	s22 =	simm.s32 $0x0;
	s4 =	sshll.u32 s4, $0x1;
	s5 =	sadd.s32 s21, s3  }
0x9d: {  	[timem:s22], [sflag:s6] =	dma.local [hbm:s5], s4  }
0x9e: {  	_ =	swait.ge [sflag:s6], s4  }
0x9f: {  	s4 =	ssub.s32 $0x0, s4;
	[sflag:s6] =	ssyncset.done $0x0  }
0xa0: {  	[sflag:s6] =	ssyncadd.s32 s4;
	_ =	sdelay $0x1  }
0xa1: {  	s23 =	simm.s32 $0x1B8B  }
0xa2: {  	_ =	swait.ge [sflag:s23], $0x1  }
0xa3: {  	[sflag:s23] =	ssyncset.done $0x0  }
0xa4: {  	[sflag:s23] =	ssyncadd.s32 $0xFFFFFFFF  }
0xa5: {  	s4 =	sld [smem:$0x0]  }
0xa6: {  	s5 =	sand.u32 $0xFFFFFFFE, s1  }
0xa7: {  	p0 =	sne.s32 s1, s5  }
0xa8: {  	s5 =	sshll.u32 @p0 s5, $0xE  }
0xa9: {  	s5 =	sadd.s32 @p0 $0x11B8D, s5;
	s6 =	sshll.u32 @p0 s4, $0x11  }
0xaa: {  	s5 =	sor.u32 @p0 s6, s5  }
0xab: {  	[sflag:s5] =	ssyncadd.remote.s32 @p0 $0x1;
	_ =	sdelay $0x1  }
0xac: {  	s5 =	simm.s32 @p0 $0x1B8D  }
0xad: {  	_ =	swait.eq @p0 [sflag:s5], $0x1  }
0xae: {  	[sflag:s5] =	ssyncadd.s32 @p0 $0xFFFFFFFF  }
0xaf: {  	s6 =	sshll.u32 @!p0 s1, $0xE  }
0xb0: {  	s6 =	sor.u32 @!p0 $0x4000, s6;
	s5 =	simm.s32 @!p0 $0x1B8D  }
0xb1: {  	s4 =	sshll.u32 @!p0 s4, $0x11;
	s6 =	sadd.s32 @!p0 $0x11B8D, s6;
	_ =	swait.eq @!p0 [sflag:s5], $0x1  }
0xb2: {  	s4 =	sor.u32 @!p0 s4, s6;
	[sflag:s5] =	ssyncadd.s32 @!p0 $0xFFFFFFFF  }
0xb3: {  	s25 =	simm.s32 $0x1B8E;
	s24 =	sld [smem:$0x3FFE];
	[sflag:s4] =	ssyncadd.remote.s32 @!p0 $0x1  }
0xb4: {  	s26 =	simm.s32 $execute0_lowered;
	[smem:$0x3FD2] =	sst s25  }
0xb5: {  	s5 =	sshll.u32 s26, $0x1;
	_ =	strace $0x8000004C;
	[dreg:$0x1] =	wrdreg $0xFFFFFFFF  }
0xb6: {  	s28 =	simm.s32 $_size_execute0_lowered;
	s3 =	sadd.s32 s3, s5;
	[dreg:$0x0] =	wrdreg $0x0  }
0xb7: {  	s5 =	sshll.u32 s28, $0x1;
	[dreg:$0x2] =	wrdreg s3  }
0xb8: {  	[dreg:$0x3] =	wrdreg s5  }
0xb9: {  	[dreg:$0x4] =	wrdreg $0xC0  }
0xba: {  	_ =	task [dreg:s22], $0x5FFFF  }
0xbb: {  	[dreg:$0x1] =	wrdreg $0xFFFFFFFF  }
0xbc: {  	[dreg:$0x0] =	wrdreg $0x60  }
0xbd: {  	[dreg:$0x2] =	wrdreg s24  }
0xbe: {  	[dreg:$0x3] =	wrdreg $0x0  }
0xbf: {  	[dreg:$0x4] =	wrdreg $0x9  }
0xc0: {  	_ =	task.clear_ibuf [dreg:s22], $0x5FFFF;
	_ =	strace $0x9000004C  }
0xc1: {  	s29 =	simm.s32 $0x9;
	_ =	strace $0x8000004E  }
0xc2: {  	_ =	swait.ge [sflag:s29], $0x1  }
0xc3: {  	[sflag:s29] =	ssyncadd.s32 $0xFFFFFFFF  }
0xc4: {  	_ =	strace $0x9000004E  }
0xc5: {  	_ =	sfence  }
0xc6: {  	s30 =	sld [smem:$0x0];
	_ =	sdelay $0x2  }
0xc7: {  	s31 =	sshll.u32 s1, $0xD;
	s1 =	sshrl.u32 s1, $0x2  }
0xc8: {  	s4 =	sand.u32 $0x4000, s31;
	s1 =	sadd.s32 s1, s30  }
0xc9: {  	s0 =	sor.u32 s4, s0;
	s1 =	sshll.u32 s1, $0x11  }
0xca: {  	s0 =	sor.u32 s1, s0  }
0xcb: {  	s0 =	sadd.s32 $0x8F2B, s0  }
0xcc: {  	[sflag:s0] =	ssyncadd.remote.s32 $0x1  }
0xcd: {  	_ =	sfence.sel $0xFFFF  }
0xce: {  	[dreg:$0x0] =	wrdreg $0xFFFFFFFF;
	(pc) =	sbr.abs _section_cstart, $3  }
0xcf: {  	[dreg:$0x1] =	wrdreg $0xFFFFFFFF  }
0xd0: {  	_ =	task.clear_ibuf [dreg:s22], $0x2FFFF;
	_ =	strace $0x9FFFFFFF  }
0xd1: {  	(tm) =	ssettm $0x7FFFFFFF  }
tec
execute0_lowered:
.L_overlay_start_1:
0x0: {  	(tag) =	ssettag $0x1  }
0x1: {  	s0 =	rddreg [dreg:$0x0]  }
0x2: {  	s2 =	rddreg [dreg:$0x1]  }
0x3: {  	s3 =	simm.s32 $0x0;
	s12 =	stileid.u32;
	s1 =	srdreg.scid  }
0x4: {  	s13 =	simm.s32 $0x4C;
	s28 =	simm.s32 $0x14180;
	s29 =	simm.s32 $0x1  }
0x5: {  	s30 =	simm.s32 $0x4;
	s31 =	simm.s32 $0x6;
	[smem:$0x7FF] =	sst s3  }
0x6: {  	s7 =	smul.u32 $0x14000, s12;
	s1 =	sand.u32 $0x1, s1;
	s4 =	sadd.s32 $0x12EA00, s0  }
0x7: {  	s5 =	sadd.s32 $0x84800, s0;
	s6 =	sadd.s32 $0x2600, s0;
	s10 =	smul.u32 $0x50000, s12  }
0x8: {  	s11 =	sshll.u32 s12, $0xA;
	s22 =	sshll.u32 s12, $0x6;
	_ =	strace $0x8000004D  }
0x9: {  	s8 =	smul.u32 $0x140000, s1;
	s19 =	ssub.s32 $0x2, s1;
	p0 =	seq.s32 s1, $0x0  }
0xa: {  	s1 =	sor.u32 $0x4C000, s11;
	s9 =	sshrl.u32 s7, $0x3;
	s20 =	sshrl.u32 s19, $0x1  }
0xb: {  	s10 =	sshrl.u32 s10, $0x2;
	s13 =	simm.s32 @!p0 $0x4;
	s7 =	sadd.s32 s7, s8  }
0xc: {  	s18 =	sadd.s32 s9, s0;
	s9 =	smul.u32 $0x4C00, s12;
	s21 =	sadd.s32 s10, s2  }
0xd: {  	s7 =	sshrl.u32 s7, $0x3;
	s8 =	sadd.s32 $0xC800, s18;
	s18 =	sshrl.u32 s21, $0x3  }
0xe: {  	s21 =	simm.s32 $0x14100;
	s0 =	sadd.s32 s7, s0;
	s7 =	ssub.s32 s19, s20  }
0xf: {  	s1 =	smov.u32 @p0 s9;
	[dreg:$0x3] =	wrdreg s8;
	s8 =	sor.u32 $0x1C07, s22  }
0x10: {  	s19 =	simm.s32 $0x7;
	s20 =	simm.s32 $0x14000;
	s22 =	simm.s32 $0x3  }
0x11: {  	s1 =	sshrl.u32 s1, $0x3;
	s14 =	sadd.s32 $0x156A00, s0;
	s15 =	smax.u32 s7, $0x1  }
0x12: {  	s0 =	simm.s32 $0x18200;
	s7 =	simm.s32 $0x0;
	s23 =	sadd.s32 s5, s1  }
0x13: {  	s24 =	sadd.s32 s6, s1;
	s25 =	sor.u32 $0x10, s1;
	s16 =	sor.u32 $0x30, s1  }
0x14: {  	s17 =	sor.u32 $0x20, s1;
	s1 =	simm.s32 $0x2;
	[dreg:$0x4] =	wrdreg s23  }
0x15: {  	[dreg:$0x5] =	wrdreg s24;
	s26 =	sadd.s32 s5, s25;
	s10 =	sadd.s32 s6, s25  }
0x16: {  	s23 =	simm.s32 $0x5;
	s24 =	simm.s32 $0x80;
	[dreg:$0x6] =	wrdreg s26  }
0x17: {  	s25 =	simm.s32 $0x14200;
	[dreg:$0x7] =	wrdreg s10;
	s26 =	simm.s32 $0x14080  }
.LBB2_1:
0x18: {  	s9 =	rddreg [dreg:$0x3]  }
0x19: {  	[spmem:s18], [sflag:s8] =	dma.local [hbm:s9], $0x2800  }
0x1a: {  	_ =	swait.ge [sflag:s19], $0x2800  }
0x1b: {  	[sflag:s19] =	ssyncset.done $0x0  }
0x1c: {  	[sflag:s19] =	ssyncadd.s32 $0xFFFFD800  }
0x1d: {  	[bflag:$0x0] =	sbarrier.arrive $0xFFFF  }
0x1e: {  	s12 =	rddreg [dreg:$0x4]  }
0x1f: {  	[tilespmem:s20], [sflag:$0x3] =	stream.linear.gather [hbm4b:s12+s3], $0x80, $0x38;
	[tilespmem:$0x1C200] =	vst v63  }
0x20: {  	s10 =	rddreg [dreg:$0x5]  }
0x21: {  	[tilespmem:s21], [sflag:$0x5] =	stream.linear.gather [hbm4b:s10+s3], $0x80, $0x38;
	[tilespmem:$0x1C200] =	vst v63  }
0x22: {  	_ =	swait.ge [sflag:s22], $0x80  }
0x23: {  	[sflag:s22] =	ssyncset.done $0x0  }
0x24: {  	[sflag:s22] =	ssyncadd.s32 $0xFFFFFF80  }
0x25: {  	_ =	swait.ge [sflag:s23], $0x80  }
0x26: {  	[sflag:s23] =	ssyncset.done $0x0  }
0x27: {  	[sflag:s23] =	ssyncadd.s32 $0xFFFFFF80  }
0x28: {  	[tilespmem:s25], [sflag:$0x1] =	stream.indirect.gather [hbm4b:s4+s24], $0x80, s20, s24, $0xb8;
	[tilespmem:$0x1C200] =	vst v63  }
0x29: {  	s11 =	rddreg [dreg:$0x6]  }
0x2a: {  	[tilespmem:s26], [sflag:$0x4] =	stream.linear.gather [hbm4b:s11+s3], $0x80, $0x38;
	[tilespmem:$0x1C200] =	vst v63  }
0x2b: {  	s12 =	rddreg [dreg:$0x7]  }
0x2c: {  	[tilespmem:s28], [sflag:$0x6] =	stream.linear.gather [hbm4b:s12+s3], $0x80, $0x38;
	[tilespmem:$0x1C200] =	vst v63  }
0x2d: {  	_ =	swait.ge [sflag:s29], $0x4000  }
0x2e: {  	[sflag:s29] =	ssyncset.done $0x0  }
0x2f: {  	[sflag:s29] =	ssyncadd.s32 $0xFFFFC000  }
0x30: {  	_ =	swait.ge [sflag:s30], $0x80  }
0x31: {  	[sflag:s30] =	ssyncset.done $0x0  }
0x32: {  	[sflag:s30] =	ssyncadd.s32 $0xFFFFFF80  }
0x33: {  	_ =	swait.ge [sflag:s31], $0x80  }
0x34: {  	[sflag:s31] =	ssyncset.done $0x0  }
0x35: {  	[sflag:s31] =	ssyncadd.s32 $0xFFFFFF80  }
0x36: {  	[tilespmem:s0], [sflag:$0x2] =	stream.indirect.gather [hbm4b:s4+s24], $0x80, s26, s24, $0xb8;
	[tilespmem:$0x1C200] =	vst v63  }
0x37: {  	_ = 	snop  }
0x38: {  	[spmem:s2] =	stream.indirect.scatter.add.f32 [tilespmem:s25], [sflag:$0x7], $0x80, s21, s24, $0xb8;
	[tilespmem:$0x1C200] =	vst v63  }
0x39: {  	_ =	swait.ge [sflag:s19], $0x4000  }
0x3a: {  	[sflag:s19] =	ssyncset.done $0x0  }
0x3b: {  	s10 =	sadd.s32 s5, s17;
	[sflag:s19] =	ssyncadd.s32 $0xFFFFC000  }
0x3c: {  	[tilespmem:s20], [sflag:$0x3] =	stream.linear.gather [hbm4b:s10+s3], $0x80, $0x38;
	[tilespmem:$0x1C200] =	vst v63  }
0x3d: {  	s11 =	sadd.s32 s6, s17  }
0x3e: {  	[tilespmem:s21], [sflag:$0x5] =	stream.linear.gather [hbm4b:s11+s3], $0x80, $0x38;
	[tilespmem:$0x1C200] =	vst v63  }
0x3f: {  	_ =	swait.ge [sflag:s1], $0x4000  }
0x40: {  	[sflag:s1] =	ssyncset.done $0x0  }
0x41: {  	[sflag:s1] =	ssyncadd.s32 $0xFFFFC000  }
0x42: {  	_ =	swait.ge [sflag:s22], $0x80  }
0x43: {  	[sflag:s22] =	ssyncset.done $0x0  }
0x44: {  	[sflag:s22] =	ssyncadd.s32 $0xFFFFFF80  }
0x45: {  	_ =	swait.ge [sflag:s23], $0x80  }
0x46: {  	[sflag:s23] =	ssyncset.done $0x0  }
0x47: {  	[sflag:s23] =	ssyncadd.s32 $0xFFFFFF80  }
0x48: {  	[tilespmem:s25], [sflag:$0x1] =	stream.indirect.gather [hbm4b:s4+s24], $0x80, s20, s24, $0xb8;
	[tilespmem:$0x1C200] =	vst v63  }
0x49: {  	p0 =	sne.s32 s13, $0x1  }
0x4a: {  	[spmem:s2] =	stream.indirect.scatter.add.f32 [tilespmem:s0], [sflag:$0x7], $0x80, s28, s24, $0xb8;
	[tilespmem:$0x1C200] =	vst v63  }
.Ltmp0:
0x4b: {  	_ =	swait.ge [sflag:s19], $0x4000;
	(pc) =	sbr.rel @!p0 .LBB2_3-.Ltmp0, $4  }
0x4c: {  	[sflag:s19] =	ssyncset.done $0x0  }
0x4d: {  	s9 =	sadd.s32 $0xFFFFFFFF, s13;
	s12 =	sadd.s32 s5, s16;
	[sflag:s19] =	ssyncadd.s32 $0xFFFFC000  }
0x4e: {  	[tilespmem:s26], [sflag:$0x4] =	stream.linear.gather [hbm4b:s12+s3], $0x80, $0x38;
	[tilespmem:$0x1C200] =	vst v63  }
0x4f: {  	s10 =	sadd.s32 $0x20, s6;
	s11 =	sadd.s32 $0x20, s5;
	s12 =	sadd.s32 s6, s16  }
.LBB2_2:
0x50: {  	[tilespmem:s28], [sflag:$0x6] =	stream.linear.gather [hbm4b:s12+s3], $0x80, $0x38;
	[tilespmem:$0x1C200] =	vst v63  }
0x51: {  	p0 =	sne.s32 s9, $0x1;
	s9 =	sadd.s32 $0xFFFFFFFF, s9;
	_ =	swait.ge [sflag:s29], $0x4000  }
0x52: {  	[sflag:s29] =	ssyncset.done $0x0  }
0x53: {  	[sflag:s29] =	ssyncadd.s32 $0xFFFFC000  }
0x54: {  	_ =	swait.ge [sflag:s30], $0x80  }
0x55: {  	[sflag:s30] =	ssyncset.done $0x0  }
0x56: {  	[sflag:s30] =	ssyncadd.s32 $0xFFFFFF80  }
0x57: {  	_ =	swait.ge [sflag:s31], $0x80  }
0x58: {  	[sflag:s31] =	ssyncset.done $0x0  }
0x59: {  	[sflag:s31] =	ssyncadd.s32 $0xFFFFFF80  }
0x5a: {  	[tilespmem:s0], [sflag:$0x2] =	stream.indirect.gather [hbm4b:s4+s24], $0x80, s26, s24, $0xb8;
	[tilespmem:$0x1C200] =	vst v63  }
0x5b: {  	_ = 	snop  }
0x5c: {  	[spmem:s2] =	stream.indirect.scatter.add.f32 [tilespmem:s25], [sflag:$0x7], $0x80, s21, s24, $0xb8;
	[tilespmem:$0x1C200] =	vst v63  }
0x5d: {  	_ =	swait.ge [sflag:s19], $0x4000  }
0x5e: {  	[sflag:s19] =	ssyncset.done $0x0  }
0x5f: {  	s12 =	sadd.s32 s11, s17;
	[sflag:s19] =	ssyncadd.s32 $0xFFFFC000  }
0x60: {  	[tilespmem:s20], [sflag:$0x3] =	stream.linear.gather [hbm4b:s12+s3], $0x80, $0x38;
	[tilespmem:$0x1C200] =	vst v63  }
0x61: {  	s12 =	sadd.s32 s10, s17  }
0x62: {  	[tilespmem:s21], [sflag:$0x5] =	stream.linear.gather [hbm4b:s12+s3], $0x80, $0x38;
	[tilespmem:$0x1C200] =	vst v63  }
0x63: {  	_ =	swait.ge [sflag:s1], $0x4000  }
0x64: {  	[sflag:s1] =	ssyncset.done $0x0  }
0x65: {  	[sflag:s1] =	ssyncadd.s32 $0xFFFFC000  }
0x66: {  	_ =	swait.ge [sflag:s22], $0x80  }
0x67: {  	[sflag:s22] =	ssyncset.done $0x0  }
0x68: {  	[sflag:s22] =	ssyncadd.s32 $0xFFFFFF80  }
0x69: {  	_ =	swait.ge [sflag:s23], $0x80  }
0x6a: {  	[sflag:s23] =	ssyncset.done $0x0  }
0x6b: {  	[sflag:s23] =	ssyncadd.s32 $0xFFFFFF80  }
0x6c: {  	[tilespmem:s25], [sflag:$0x1] =	stream.indirect.gather [hbm4b:s4+s24], $0x80, s20, s24, $0xb8;
	[tilespmem:$0x1C200] =	vst v63  }
0x6d: {  	_ = 	snop  }
0x6e: {  	[spmem:s2] =	stream.indirect.scatter.add.f32 [tilespmem:s0], [sflag:$0x7], $0x80, s28, s24, $0xb8;
	[tilespmem:$0x1C200] =	vst v63  }
.Ltmp1:
0x6f: {  	_ =	swait.ge [sflag:s19], $0x4000;
	(pc) =	sbr.rel @p0 .LBB2_2-.Ltmp1, $4  }
0x70: {  	[sflag:s19] =	ssyncset.done $0x0  }
0x71: {  	s12 =	sadd.s32 s11, s16;
	[sflag:s19] =	ssyncadd.s32 $0xFFFFC000  }
0x72: {  	[tilespmem:s26], [sflag:$0x4] =	stream.linear.gather [hbm4b:s12+s3], $0x80, $0x38;
	[tilespmem:$0x1C200] =	vst v63  }
0x73: {  	s11 =	sadd.s32 $0x20, s11;
	s12 =	sadd.s32 s10, s16;
	s10 =	sadd.s32 $0x20, s10  }
.LBB2_3:
0x74: {  	[tilespmem:s28], [sflag:$0x6] =	stream.linear.gather [hbm4b:s12+s3], $0x80, $0x38;
	[tilespmem:$0x1C200] =	vst v63  }
0x75: {  	_ =	swait.ge [sflag:s29], $0x4000  }
0x76: {  	[sflag:s29] =	ssyncset.done $0x0  }
0x77: {  	[sflag:s29] =	ssyncadd.s32 $0xFFFFC000  }
0x78: {  	_ =	swait.ge [sflag:s30], $0x80  }
0x79: {  	[sflag:s30] =	ssyncset.done $0x0  }
0x7a: {  	[sflag:s30] =	ssyncadd.s32 $0xFFFFFF80  }
0x7b: {  	_ =	swait.ge [sflag:s31], $0x80  }
0x7c: {  	s7 =	sadd.s32 $0x1, s7;
	[sflag:s31] =	ssyncset.done $0x0  }
0x7d: {  	p0 =	sne.s32 s7, s15;
	[sflag:s31] =	ssyncadd.s32 $0xFFFFFF80  }
.Ltmp2:
0x7e: {  	[bflag:$0x0] =	sbarrier.arrive $0xFFFF;
	(pc) =	sbr.rel @p0 .LBB2_1-.Ltmp2, $4  }
0x7f: {  	[hbm:s14], [sflag:s8] =	dma.local [spmem:s18], $0x2800  }
0x80: {  	_ =	swait.ge [sflag:s19], $0x2800  }
0x81: {  	[sflag:s19] =	ssyncset.done $0x0  }
0x82: {  	[sflag:s19] =	ssyncadd.s32 $0xFFFFD800  }
0x83: {  	_ =	sfence.sel $0x180000  }
0x84: {  	[bflag:$0x0] =	sbarrier.arrive $0xFFFF  }
0x85: {  	_ =	strace $0x9000004D  }
0x86: {  	s0 =	stileid.u32;
	[bflag:$0x2] =	sbarrier.arrive $0xFFFF  }
0x87: {  	p0 =	sne.s32 s0, $0x0;
	s0 =	rddreg [dreg:$0x2]  }
0x88: {  	s0 =	sadd.s32 @!p0 $0x100000, s0  }
0x89: {  	[sflag:s0] =	ssyncadd.tile.s32 @!p0 $0x1;
	_ =	shalt  }
.Lfunc_end2:
_tile_overlayer_lowered:
.L_overlay_start_2:
0x8a: {  	(tag) =	ssettag $0x2  }
0x8b: {  	s0 =	rddreg [dreg:$0x0];
	s2 =	stileid.u32  }
0x8c: {  	s1 =	rddreg [dreg:$0x1];
	p0 =	sne.s32 s2, $0x0  }
0x8d: {  	s3 =	rddreg [dreg:$0x2];
	[bflag:$0x3] =	sbarrier.arrive $0xFFFF;
	s2 =	simm.s32 @!p0 $0x1C07  }
0x8e: {  	[timem:s3], [sflag:s2] =	dma.local @!p0 [hbm:s0], s1  }
0x8f: {  	s0 =	simm.s32 @!p0 $0x7  }
0x90: {  	_ =	swait.ge @!p0 [sflag:s0], s1  }
0x91: {  	s1 =	ssub.s32 @!p0 $0x0, s1;
	[sflag:s0] =	ssyncset.done @!p0 $0x0  }
0x92: {  	[sflag:s0] =	ssyncadd.s32 @!p0 s1  }
0x93: {  	[bflag:$0x3] =	sbarrier.arrive $0xFFFF  }
0x94: {  	_ =	shalt  }

// kernel: kernel.9.cloned.1.call-start
scs
__scs_entry_jumppad:
0x0: {  	(pc) =	sbr.rel $0x88, $3  }
0x1: {  	(tag) =	ssettag $0x0;
	lr =	simm.s32 $0x1  }
0x2: {  	[smem:$0x3F96] =	sst lr;
	_ =	strace $0xD0000000  }
0x3: {  	_ = 	snop  }
0x4: {  	_ = 	snop  }
0x5: {  	_ = 	snop  }
0x6: {  	_ = 	snop  }
0x7: {  	_ = 	snop  }
__scs_overlays_trampoline_lowered:
0x8: {  	[smem:$0x3FA5] =	sst s0  }
0x9: {  	[smem:$0x3FA6] =	sst s1  }
0xa: {  	[smem:$0x3FA7] =	sst s2  }
0xb: {  	[smem:$0x3FA8] =	sst s3  }
0xc: {  	[smem:$0x3FA9] =	sst s4  }
0xd: {  	[smem:$0x3FAA] =	sst s5  }
0xe: {  	[smem:$0x3FAB] =	sst s6  }
0xf: {  	[smem:$0x3FAC] =	sst s7  }
0x10: {  	[smem:$0x3FAD] =	sst s8  }
0x11: {  	[smem:$0x3FAE] =	sst s9;
	s0 =	simm.s32 @!p0 $0x0  }
0x12: {  	s1 =	sld [smem:$0x3F94];
	s0 =	simm.s32 @p0 $0x1  }
0x13: {  	[smem:$0x3FAF] =	sst s0;
	s0 =	simm.s32 @!p1 $0x0  }
0x14: {  	s2 =	sld [smem:$0x3F93];
	s0 =	simm.s32 @p1 $0x1  }
0x15: {  	[smem:$0x3FB0] =	sst s0;
	s0 =	simm.s32 @!p2 $0x0  }
0x16: {  	s3 =	sld [smem:$0x3FDB];
	s0 =	simm.s32 @p2 $0x1  }
0x17: {  	s4 =	simm.s32 $0x1BF5;
	[smem:$0x3FB2] =	sst s0  }
0x18: {  	s0 =	sld [smem:$0x3F95];
	_ =	swait.ge [sflag:s4], $0x0  }
0x19: {  	s7 =	sld [smem:$0x3F96]  }
0x1a: {  	s8 =	sadd.s32 $0xFFFFE003, lr  }
0x1b: {  	s9 =	sadd.s32 $0xFFFFFEF7, lr;
	s5 =	simm.s32 $0xFFFFFFFF;
	p2 =	slt.u32 s8, $0xFFFFF086  }
0x1c: {  	p1 =	slt.u32 s9, $0xF7A;
	s5 =	simm.s32 @!p2 $0x0  }
0x1d: {  	s5 =	simm.s32 @p1 $0x1;
	p0 =	seq.s32 s7, s2  }
0x1e: {  	s7 =	smul.u32 @!p0 $0xF7A, s2;
	p2 =	seq.s32 @!p0 s5, $0x0  }
0x1f: {  	s9 =	smul.u32 $0xF7A, s1;
	s8 =	simm.s32 @!p0 $0x1BF5;
	p2 =	por !p2, p0  }
0x20: {  	[sflag:s8] =	ssyncset.s32 @!p0 $0xFFFFF086;
	s6 =	sadd.s32 @!p0 s3, s7;
	s7 =	simm.s32 @!p0 $0x108  }
0x21: {  	s3 =	sadd.s32 s3, s9;
	s6 =	sadd.s32 @!p0 $0x88, s6;
	s7 =	simm.s32 @p2 $0x1082  }
0x22: {  	[simem:s7], [sflag:s8] =	dma.local @!p0 [hbm:s6], $0xF7A  }
0x23: {  	s9 =	sor.u32 $0xD0000000, s2;
	s6 =	simm.s32 $0x108;
	_ =	swait.ge @!p0 [sflag:s8], $0x0  }
0x24: {  	s3 =	sadd.s32 $0x88, s3;
	s6 =	simm.s32 @!p1 $0x1082;
	[sflag:s4] =	ssyncset.s32 $0xFFFFF086  }
0x25: {  	[simem:s6], [sflag:s4] =	dma.local [hbm:s3], $0xF7A  }
0x26: {  	[smem:$0x3F96] =	sst s1;
	(tag) =	ssettag s2;
	_ =	strace s9  }
0x27: {  	s1 =	sld [smem:$0x3FA6]  }
0x28: {  	s2 =	sld [smem:$0x3FA7]  }
0x29: {  	s4 =	sld [smem:$0x3FA9]  }
0x2a: {  	p0 =	seq.s32 s5, $0x0;
	s5 =	sld [smem:$0x3FAA]  }
0x2b: {  	s6 =	sld [smem:$0x3FAB]  }
0x2c: {  	s7 =	sld [smem:$0x3FAC]  }
0x2d: {  	s3 =	simm.s32 $0x108;
	s8 =	sld [smem:$0x3FAD]  }
0x2e: {  	s3 =	simm.s32 @!p0 $0x1082;
	s9 =	sld [smem:$0x3FAE]  }
0x2f: {  	lr =	sadd.s32 s0, s3;
	s0 =	sld [smem:$0x3FA5]  }
0x30: {  	s3 =	sld [smem:$0x3FA8]  }
0x31: {  	[smem:$0x3FB1] =	sst s10  }
0x32: {  	s10 =	sld [smem:$0x3FAF];
	_ =	sdelay $0x3  }
0x33: {  	p0 =	seq.s32 s10, $0x1;
	s10 =	sld [smem:$0x3FB1];
	_ =	sdelay $0x3  }
0x34: {  	[smem:$0x3FB1] =	sst s10  }
0x35: {  	s10 =	sld [smem:$0x3FB0];
	_ =	sdelay $0x3  }
0x36: {  	p1 =	seq.s32 s10, $0x1;
	s10 =	sld [smem:$0x3FB1];
	_ =	sdelay $0x3  }
0x37: {  	[smem:$0x3FB1] =	sst s10  }
0x38: {  	s10 =	sld [smem:$0x3FB2]  }
0x39: {  	_ = 	snop;
	(pc) =	sbr.ind lr, $3  }
0x3a: {  	_ = 	snop  }
0x3b: {  	_ = 	snop  }
0x3c: {  	p2 =	seq.s32 s10, $0x1;
	s10 =	sld [smem:$0x3FB1]  }
0x3d: {  	_ =	shalt  }
0x3e: {  	_ =	shalt  }
0x3f: {  	_ =	shalt  }
0x40: {  	_ =	shalt  }
0x41: {  	_ =	shalt  }
0x42: {  	_ =	shalt  }
0x43: {  	_ =	shalt  }
0x44: {  	_ =	shalt  }
0x45: {  	_ =	shalt  }
0x46: {  	_ =	shalt  }
0x47: {  	_ =	shalt  }
0x48: {  	_ =	shalt  }
0x49: {  	_ =	shalt  }
0x4a: {  	_ =	shalt  }
0x4b: {  	_ =	shalt  }
0x4c: {  	_ =	shalt  }
0x4d: {  	_ =	shalt  }
0x4e: {  	_ =	shalt  }
0x4f: {  	_ =	shalt  }
0x50: {  	_ =	shalt  }
0x51: {  	_ =	shalt  }
0x52: {  	_ =	shalt  }
0x53: {  	_ =	shalt  }
0x54: {  	_ =	shalt  }
0x55: {  	_ =	shalt  }
0x56: {  	_ =	shalt  }
0x57: {  	_ =	shalt  }
0x58: {  	_ =	shalt  }
0x59: {  	_ =	shalt  }
0x5a: {  	_ =	shalt  }
0x5b: {  	_ =	shalt  }
0x5c: {  	_ =	shalt  }
0x5d: {  	_ =	shalt  }
0x5e: {  	_ =	shalt  }
0x5f: {  	_ =	shalt  }
0x60: {  	_ =	shalt  }
0x61: {  	_ =	shalt  }
0x62: {  	_ =	shalt  }
0x63: {  	_ =	shalt  }
0x64: {  	_ =	shalt  }
0x65: {  	_ =	shalt  }
0x66: {  	_ =	shalt  }
0x67: {  	_ =	shalt  }
0x68: {  	_ =	shalt  }
0x69: {  	_ =	shalt  }
0x6a: {  	_ =	shalt  }
0x6b: {  	_ =	shalt  }
0x6c: {  	_ =	shalt  }
0x6d: {  	_ =	shalt  }
0x6e: {  	_ =	shalt  }
0x6f: {  	_ =	shalt  }
0x70: {  	_ =	shalt  }
0x71: {  	_ =	shalt  }
0x72: {  	_ =	shalt  }
0x73: {  	_ =	shalt  }
0x74: {  	_ =	shalt  }
0x75: {  	_ =	shalt  }
0x76: {  	_ =	shalt  }
0x77: {  	_ =	shalt  }
0x78: {  	_ =	shalt  }
0x79: {  	_ =	shalt  }
0x7a: {  	_ =	shalt  }
0x7b: {  	_ =	shalt  }
0x7c: {  	_ =	shalt  }
0x7d: {  	_ =	shalt  }
0x7e: {  	_ =	shalt  }
0x7f: {  	_ =	shalt  }
0x80: {  	_ =	shalt  }
0x81: {  	_ =	shalt  }
0x82: {  	_ =	shalt  }
0x83: {  	_ =	shalt  }
0x84: {  	_ =	shalt  }
0x85: {  	_ =	shalt  }
0x86: {  	_ =	shalt  }
0x87: {  	_ =	shalt  }
.Lfunc_end0:
.L_simem_size_0:
called_computation.1_lowered:
.L_overlay_start_0:
0x88: {  	s2 =	sld [smem:$0x3FD9]  }
0x89: {  	s3 =	sld [smem:$0x3FFE];
	_ =	sdelay $0x1  }
0x8a: {  	s1 =	srdreg.scid  }
0x8b: {  	s0 =	sand.u32 $0x1, s1  }
0x8c: {  	s16 =	sshll.u32 s0, $0xA;
	s2 =	sadd.s32 s3, s2  }
0x8d: {  	s2 =	sadd.s32 s2, s16  }
0x8e: {  	[smem:$0x3FBD] =	sst s2  }
0x8f: {  	_ = 	snop  }
0x90: {  	(tm) =	ssettm $0x1  }
0x91: {  	s17 =	sld [smem:$0x3FFB];
	_ =	sdelay $0x3  }
0x92: {  	_ =	strace s17  }
0x93: {  	s2 =	sld [smem:$0x3FFC];
	_ =	sdelay $0x3  }
0x94: {  	_ =	strace s2  }
0x95: {  	s2 =	sld [smem:$0x3FFD];
	_ =	sdelay $0x3  }
0x96: {  	_ =	strace s2  }
0x97: {  	_ =	strace $0x8FFFFFFF  }
0x98: {  	s18 =	sld [smem:$0x3FDB];
	_ =	sdelay $0x1  }
0x99: {  	s19 =	simm.s32 $_scs_section_size  }
0x9a: {  	s4 =	simm.s32 $_size__tile_overlayer_lowered;
	s5 =	simm.s32 $_tile_overlayer_lowered  }
0x9b: {  	s22 =	simm.s32 $0x1BFF;
	s21 =	sshll.u32 s5, $0x1;
	s2 =	sadd.s32 s19, s18  }
0x9c: {  	s6 =	simm.s32 $0x0;
	s20 =	sshll.u32 s4, $0x1;
	s4 =	sadd.s32 s21, s2  }
0x9d: {  	[timem:s6], [sflag:s22] =	dma.local [hbm:s4], s20  }
0x9e: {  	_ =	swait.ge [sflag:s22], s20  }
0x9f: {  	s3 =	ssub.s32 $0x0, s20;
	[sflag:s22] =	ssyncset.done $0x0  }
0xa0: {  	[sflag:s22] =	ssyncadd.s32 s3;
	_ =	sdelay $0x1  }
0xa1: {  	s23 =	simm.s32 $0x1B8B  }
0xa2: {  	_ =	swait.ge [sflag:s23], $0x1  }
0xa3: {  	[sflag:s23] =	ssyncset.done $0x0  }
0xa4: {  	s25 =	simm.s32 $0x1B8E;
	s24 =	sld [smem:$0x3FFE];
	[sflag:s23] =	ssyncadd.s32 $0xFFFFFFFF  }
0xa5: {  	s26 =	simm.s32 $execute0_lowered;
	[smem:$0x3FD2] =	sst s25  }
0xa6: {  	s4 =	sshll.u32 s26, $0x1;
	_ =	strace $0x80000046;
	[dreg:$0x1] =	wrdreg $0xFFFFFFFF  }
0xa7: {  	s28 =	simm.s32 $_size_execute0_lowered;
	s2 =	sadd.s32 s2, s4;
	[dreg:$0x0] =	wrdreg $0x0  }
0xa8: {  	s4 =	sshll.u32 s28, $0x1;
	[dreg:$0x2] =	wrdreg s2  }
0xa9: {  	[dreg:$0x3] =	wrdreg s4  }
0xaa: {  	[dreg:$0x4] =	wrdreg $0xC0  }
0xab: {  	_ =	task [dreg:s6], $0x5FFFF  }
0xac: {  	[dreg:$0x1] =	wrdreg $0xFFFFFFFF  }
0xad: {  	[dreg:$0x0] =	wrdreg $0x60  }
0xae: {  	[dreg:$0x2] =	wrdreg s24  }
0xaf: {  	[dreg:$0x3] =	wrdreg $0x0  }
0xb0: {  	[dreg:$0x4] =	wrdreg $0x9  }
0xb1: {  	_ =	task.clear_ibuf [dreg:s6], $0x5FFFF;
	_ =	strace $0x90000046  }
0xb2: {  	s29 =	simm.s32 $0x9;
	_ =	strace $0x80000048  }
0xb3: {  	_ =	swait.ge [sflag:s29], $0x1  }
0xb4: {  	[sflag:s29] =	ssyncadd.s32 $0xFFFFFFFF  }
0xb5: {  	_ =	strace $0x90000048  }
0xb6: {  	_ =	sfence  }
0xb7: {  	s30 =	sld [smem:$0x0];
	_ =	sdelay $0x2  }
0xb8: {  	s31 =	sshll.u32 s1, $0xD;
	s1 =	sshrl.u32 s1, $0x2  }
0xb9: {  	s3 =	sand.u32 $0x4000, s31;
	s1 =	sadd.s32 s1, s30  }
0xba: {  	s0 =	sor.u32 s3, s0;
	s1 =	sshll.u32 s1, $0x11  }
0xbb: {  	s0 =	sor.u32 s1, s0  }
0xbc: {  	s0 =	sadd.s32 $0x8F2B, s0  }
0xbd: {  	[sflag:s0] =	ssyncadd.remote.s32 $0x1  }
0xbe: {  	_ =	sfence.sel $0xFFFF  }
0xbf: {  	[dreg:$0x0] =	wrdreg $0xFFFFFFFF;
	(pc) =	sbr.abs _section_cstart, $3  }
0xc0: {  	[dreg:$0x1] =	wrdreg $0xFFFFFFFF  }
0xc1: {  	_ =	task.clear_ibuf [dreg:s6], $0x2FFFF;
	_ =	strace $0x9FFFFFFF  }
0xc2: {  	(tm) =	ssettm $0x7FFFFFFF  }
0xc3: {  	_ =	shalt  }
tec
execute0_lowered:
.L_overlay_start_1:
0x0: {  	(tag) =	ssettag $0x1  }
0x1: {  	s4 =	rddreg [dreg:$0x0]  }
0x2: {  	s2 =	rddreg [dreg:$0x1]  }
0x3: {  	s0 =	rddreg [dreg:$0x2]  }
0x4: {  	s3 =	simm.s32 $0x0;
	s1 =	stileid.u32;
	s5 =	srdreg.scid  }
0x5: {  	s14 =	simm.s32 $0x1;
	s15 =	simm.s32 $0x14080;
	s16 =	simm.s32 $0x80  }
0x6: {  	s17 =	simm.s32 $0x14100;
	s18 =	simm.s32 $0x2;
	s6 =	smul.u32 $0x14000, s1  }
0x7: {  	s19 =	simm.s32 $0x0;
	[smem:$0x7FF] =	sst s3;
	s11 =	smul.u32 $0x50000, s1  }
0x8: {  	s5 =	sand.u32 $0x1, s5;
	s10 =	sadd.s32 $0x2600, s4;
	s28 =	smul.u32 $0x2800, s1  }
0x9: {  	s29 =	sshll.u32 s1, $0x6;
	_ =	strace $0x80000047;
	s7 =	smul.u32 $0x140000, s5  }
0xa: {  	s8 =	sshll.u32 s5, $0x4;
	s23 =	ssub.s32 $0x2, s5;
	s25 =	smul.u32 $0x28000, s5  }
0xb: {  	s5 =	sor.u32 $0x1C03, s29;
	s9 =	sshrl.u32 s6, $0x3;
	s8 =	sor.u32 s1, s8  }
0xc: {  	s24 =	sshrl.u32 s23, $0x1;
	s26 =	sshrl.u32 s11, $0x2;
	s9 =	sadd.s32 s9, s4  }
0xd: {  	s6 =	sadd.s32 s6, s7;
	s22 =	smul.u32 $0x2800, s8;
	s8 =	ssub.s32 s23, s24  }
0xe: {  	s13 =	sadd.s32 s26, s2;
	s30 =	sadd.s32 s28, s25;
	s6 =	sshrl.u32 s6, $0x3  }
0xf: {  	s11 =	sor.u32 $0x100, s30;
	s8 =	smax.u32 s8, $0x1;
	s12 =	sadd.s32 s6, s4  }
0x10: {  	s4 =	sadd.s32 $0xC800, s9;
	s7 =	sshrl.u32 s22, $0x3;
	s9 =	sor.u32 $0x80, s30  }
0x11: {  	s11 =	sshrl.u32 s11, $0x3;
	s6 =	sadd.s32 s10, s7;
	s7 =	sadd.s32 $0x34800, s12  }
0x12: {  	s31 =	sshrl.u32 s9, $0x3;
	s9 =	sadd.s32 s11, s10;
	s11 =	sshrl.u32 s13, $0x3  }
0x13: {  	v0 =	vimm.f32 $1.000000000e+00;
	s12 =	simm.s32 $0x3;
	s13 =	simm.s32 $0x14000;
	s10 =	sadd.s32 s31, s10  }
.LBB2_1:
0x14: {  	[spmem:s11], [sflag:s5] =	dma.local [hbm:s4], $0x2800  }
0x15: {  	_ =	swait.ge [sflag:s12], $0x2800  }
0x16: {  	[sflag:s12] =	ssyncset.done $0x0  }
0x17: {  	s20 =	simm.s32 $0x0;
	s21 =	simm.s32 $0x200;
	[sflag:s12] =	ssyncadd.s32 $0xFFFFD800  }
.LBB2_2:
0x18: {  	p0 =	sne.s32 s21, $0xFE00;
	[tilespmem:s20+$0x14170] =	vst v0  }
0x19: {  	[tilespmem:s20+$0x14100] =	vst v0  }
0x1a: {  	[tilespmem:s20+$0x14110] =	vst v0  }
.Ltmp0:
0x1b: {  	[tilespmem:s20+$0x14120] =	vst v0;
	(pc) =	sbr.rel @p0 .LBB2_2-.Ltmp0, $4  }
0x1c: {  	[tilespmem:s20+$0x14130] =	vst v0  }
0x1d: {  	[tilespmem:s20+$0x14140] =	vst v0  }
0x1e: {  	[tilespmem:s20+$0x14150] =	vst v0  }
0x1f: {  	[tilespmem:s20+$0x14160] =	vst v0;
	s20 =	sshra.s32 s21, $0x2;
	s21 =	sadd.s32 $0x200, s21  }
0x20: {  	[tilespmem:s20+$0x14170] =	vst v0  }
0x21: {  	[tilespmem:s20+$0x14100] =	vst v0  }
0x22: {  	[tilespmem:s20+$0x14110] =	vst v0  }
0x23: {  	[tilespmem:s20+$0x14120] =	vst v0  }
0x24: {  	[tilespmem:s20+$0x14130] =	vst v0  }
0x25: {  	[tilespmem:s20+$0x14140] =	vst v0  }
0x26: {  	[tilespmem:s20+$0x14150] =	vst v0  }
0x27: {  	[tilespmem:s20+$0x14160] =	vst v0  }
0x28: {  	s29 =	simm.s32 $0x0;
	[bflag:$0x0] =	sbarrier.arrive $0xFFFF  }
0x29: {  	[tilespmem:s13], [sflag:$0x1] =	stream.linear.gather [hbm4b:s6+s29], $0x80, $0x38;
	[tilespmem:$0x18100] =	vst v63  }
0x2a: {  	_ =	swait.ge [sflag:s14], $0x80  }
0x2b: {  	[sflag:s14] =	ssyncset.done $0x0  }
0x2c: {  	s30 =	sadd.s32 $0x0, s10;
	[sflag:s14] =	ssyncadd.s32 $0xFFFFFF80  }
0x2d: {  	[tilespmem:s15], [sflag:$0x2] =	stream.linear.gather [hbm4b:s30+s3], $0x80, $0x38;
	[tilespmem:$0x18100] =	vst v63  }
0x2e: {  	_ = 	snop  }
0x2f: {  	[spmem:s2] =	stream.indirect.scatter.add.f32 [tilespmem:s17], [sflag:$0x3], $0x80, s13, s16, $0xb8;
	[tilespmem:$0x18100] =	vst v63  }
0x30: {  	_ =	swait.ge [sflag:s12], $0x4000  }
0x31: {  	[sflag:s12] =	ssyncset.done $0x0  }
0x32: {  	[sflag:s12] =	ssyncadd.s32 $0xFFFFC000  }
0x33: {  	_ =	swait.ge [sflag:s18], $0x80  }
0x34: {  	[sflag:s18] =	ssyncset.done $0x0  }
0x35: {  	s31 =	sadd.s32 $0x0, s9;
	[sflag:s18] =	ssyncadd.s32 $0xFFFFFF80  }
0x36: {  	[tilespmem:s13], [sflag:$0x1] =	stream.linear.gather [hbm4b:s31+s3], $0x80, $0x38;
	[tilespmem:$0x18100] =	vst v63  }
0x37: {  	_ = 	snop  }
0x38: {  	[spmem:s2] =	stream.indirect.scatter.add.f32 [tilespmem:s17], [sflag:$0x3], $0x80, s15, s16, $0xb8;
	[tilespmem:$0x18100] =	vst v63  }
0x39: {  	_ =	swait.ge [sflag:s12], $0x4000  }
0x3a: {  	s20 =	simm.s32 $0x20;
	[sflag:s12] =	ssyncset.done $0x0  }
.LBB2_4:
0x3b: {  	p0 =	sne.s32 s20, $0x4E0  }
0x3c: {  	[sflag:s12] =	ssyncadd.s32 $0xFFFFC000;
	s21 =	smov.u32 s20;
	s20 =	sadd.s32 $0x20, s20  }
0x3d: {  	_ = 	snop  }
0x3e: {  	_ =	swait.ge [sflag:s14], $0x80  }
0x3f: {  	[sflag:s14] =	ssyncset.done $0x0  }
0x40: {  	s22 =	sadd.s32 s21, s10;
	[sflag:s14] =	ssyncadd.s32 $0xFFFFFF80  }
0x41: {  	[tilespmem:s15], [sflag:$0x2] =	stream.linear.gather [hbm4b:s22+s3], $0x80, $0x38;
	[tilespmem:$0x18100] =	vst v63  }
0x42: {  	_ = 	snop  }
0x43: {  	[spmem:s2] =	stream.indirect.scatter.add.f32 [tilespmem:s17], [sflag:$0x3], $0x80, s13, s16, $0xb8;
	[tilespmem:$0x18100] =	vst v63  }
0x44: {  	_ =	swait.ge [sflag:s12], $0x4000  }
0x45: {  	[sflag:s12] =	ssyncset.done $0x0  }
0x46: {  	[sflag:s12] =	ssyncadd.s32 $0xFFFFC000  }
0x47: {  	_ =	swait.ge [sflag:s18], $0x80  }
0x48: {  	[sflag:s18] =	ssyncset.done $0x0  }
0x49: {  	s21 =	sadd.s32 s21, s9;
	[sflag:s18] =	ssyncadd.s32 $0xFFFFFF80  }
0x4a: {  	[tilespmem:s13], [sflag:$0x1] =	stream.linear.gather [hbm4b:s21+s3], $0x80, $0x38;
	[tilespmem:$0x18100] =	vst v63  }
.Ltmp1:
0x4b: {  	_ = 	snop;
	(pc) =	sbr.rel @p0 .LBB2_4-.Ltmp1, $4  }
0x4c: {  	_ = 	snop  }
0x4d: {  	[spmem:s2] =	stream.indirect.scatter.add.f32 [tilespmem:s17], [sflag:$0x3], $0x80, s15, s16, $0xb8;
	[tilespmem:$0x18100] =	vst v63  }
0x4e: {  	_ =	swait.ge [sflag:s12], $0x4000  }
0x4f: {  	[sflag:s12] =	ssyncset.done $0x0  }
0x50: {  	[sflag:s12] =	ssyncadd.s32 $0xFFFFC000  }
0x51: {  	_ =	swait.ge [sflag:s14], $0x80  }
0x52: {  	s19 =	sadd.s32 $0x1, s19;
	[sflag:s14] =	ssyncset.done $0x0  }
0x53: {  	p0 =	sne.s32 s19, s8;
	[sflag:s14] =	ssyncadd.s32 $0xFFFFFF80  }
.Ltmp2:
0x54: {  	[bflag:$0x0] =	sbarrier.arrive $0xFFFF;
	(pc) =	sbr.rel @p0 .LBB2_1-.Ltmp2, $4  }
0x55: {  	[hbm:s7], [sflag:s5] =	dma.local [spmem:s11], $0x2800  }
0x56: {  	_ =	swait.ge [sflag:s12], $0x2800  }
0x57: {  	[sflag:s12] =	ssyncset.done $0x0  }
0x58: {  	[sflag:s12] =	ssyncadd.s32 $0xFFFFD800  }
0x59: {  	_ =	sfence.sel $0x180000  }
0x5a: {  	[bflag:$0x0] =	sbarrier.arrive $0xFFFF  }
0x5b: {  	p0 =	sne.s32 s1, $0x0;
	_ =	strace $0x90000047  }
0x5c: {  	s0 =	sadd.s32 @!p0 $0x100000, s0;
	[bflag:$0x2] =	sbarrier.arrive $0xFFFF  }
0x5d: {  	[sflag:s0] =	ssyncadd.tile.s32 @!p0 $0x1;
	_ =	shalt  }
.Lfunc_end2:
_tile_overlayer_lowered:
.L_overlay_start_2:
0x5e: {  	(tag) =	ssettag $0x2  }
0x5f: {  	s0 =	rddreg [dreg:$0x0];
	s2 =	stileid.u32  }
0x60: {  	s1 =	rddreg [dreg:$0x1];
	p0 =	sne.s32 s2, $0x0  }
0x61: {  	s3 =	rddreg [dreg:$0x2];
	[bflag:$0x3] =	sbarrier.arrive $0xFFFF;
	s2 =	simm.s32 @!p0 $0x1C03  }
0x62: {  	[timem:s3], [sflag:s2] =	dma.local @!p0 [hbm:s0], s1  }
0x63: {  	s0 =	simm.s32 @!p0 $0x3  }
0x64: {  	_ =	swait.ge @!p0 [sflag:s0], s1  }
0x65: {  	s1 =	ssub.s32 @!p0 $0x0, s1;
	[sflag:s0] =	ssyncset.done @!p0 $0x0  }
0x66: {  	[sflag:s0] =	ssyncadd.s32 @!p0 s1  }
0x67: {  	[bflag:$0x3] =	sbarrier.arrive $0xFFFF  }
0x68: {  	_ =	shalt  }

</sc_bundles>
